<compile_context>
chip_gen: v7x
topology: tpu7x:2x2x1
jax: 0.10.2.dev20260603
libtpu: 0.0.44.dev20260713+nightly
codegen_flags: <defaults>
</compile_context>

<pallas_src>
import functools

import jax
import jax.numpy as jnp
import numpy as np
from jax import lax
from jax.experimental import pallas as pl
from jax.experimental.pallas import tpu as pltpu
from jax.experimental.pallas import tpu_sc as plsc

_N_VOCAB = 100000
_D = 768
_B = 4
_S = 2048
_LANES = 16

_INFO = plsc.get_sparse_core_info()
_NC = _INFO.num_cores
_NS = _INFO.num_subcores
_NW = _NC * _NS
_ROWS = _B * _S
_S_PER_W = _S // _NW
_CH = 32
_N_CH = (_B * _S_PER_W) // _CH
_H = _N_CH // _B
_NBUF = 3


def _pe_table() -> jnp.ndarray:
    pos = np.arange(_S, dtype=np.float64)[:, None]
    i = np.arange(_D, dtype=np.float64)[None, :]
    angle = pos / np.power(10000.0, (2.0 * np.floor(i / 2.0)) / _D)
    pe = np.where((np.arange(_D)[None, :] % 2) == 0, np.sin(angle), np.cos(angle))
    return jnp.asarray(pe, dtype=jnp.float32)


_MESH = plsc.VectorSubcoreMesh(core_axis_name="c", subcore_axis_name="s")


@functools.partial(
    pl.kernel,
    mesh=_MESH,
    out_type=jax.ShapeDtypeStruct((_ROWS, _D), jnp.float32),
    scratch_types=[
        pltpu.VMEM((_B, _S_PER_W), jnp.int32),
        pltpu.VMEM((_S_PER_W, _D), jnp.float32),
        pltpu.VMEM((_NBUF, _CH, _D), jnp.float32),
        pltpu.SemaphoreType.DMA((_NBUF,)),
        pltpu.SemaphoreType.DMA((_NBUF,)),
        pltpu.SemaphoreType.DMA,
        pltpu.SemaphoreType.DMA,
    ],
)
def _embed_pe(idx_hbm, table_hbm, pe_hbm, out_hbm, idx_v, pe_v, gat_v,
              gat_sem, out_sem, pe_sem, idx_sem):
    wid = lax.axis_index("s") * _NC + lax.axis_index("c")
    s0 = wid * _S_PER_W

    idx_copies = [
        pltpu.async_copy(idx_hbm.at[b, pl.ds(s0, _S_PER_W)], idx_v.at[b],
                         idx_sem)
        for b in range(_B)
    ]
    pe_copy = pltpu.async_copy(pe_hbm.at[pl.ds(s0, _S_PER_W)], pe_v, pe_sem)
    for cp in idx_copies:
        cp.wait()

    def _issue_gather(c):
        b = c // _H
        h = c - b * _H
        p = c % _NBUF
        pltpu.async_copy(
            table_hbm.at[idx_v.at[b, pl.ds(h * _CH, _CH)]],
            gat_v.at[p], gat_sem.at[p],
        )

    def _out_slice(c):
        b = c // _H
        h = c - b * _H
        row0 = b * _S + s0 + h * _CH
        return out_hbm.at[pl.ds(row0, _CH)]

    for c in range(min(_NBUF, _N_CH)):
        _issue_gather(c)

    def _chunk(c, carry):
        p = c % _NBUF
        h = c - (c // _H) * _H

        pltpu.make_async_copy(
            table_hbm.at[idx_v.at[0, pl.ds(0, _CH)]], gat_v.at[p],
            gat_sem.at[p],
        ).wait()

        @pl.when(c == 0)
        def _wait_pe():
            pltpu.make_async_copy(
                pe_hbm.at[pl.ds(s0, _S_PER_W)], pe_v, pe_sem
            ).wait()

        @plsc.parallel_loop(0, _CH, unroll=2)
        def _add_row(r):
            for j in range(_D // _LANES):
                sl = pl.ds(j * _LANES, _LANES)
                plsc.addupdate(gat_v.at[p, r, sl], pe_v[h * _CH + r, sl])

        pltpu.async_copy(gat_v.at[p], _out_slice(c), out_sem.at[p])

        @pl.when(jnp.logical_and(0 < c, c + _NBUF - 1 < _N_CH))
        def _refill():
            pm = (c - 1) % _NBUF
            pltpu.make_async_copy(
                gat_v.at[pm], _out_slice(c - 1), out_sem.at[pm]
            ).wait()
            _issue_gather(c + _NBUF - 1)
        return carry

    lax.fori_loop(0, _N_CH, _chunk, 0)
    for c in range(max(_N_CH - _NBUF, 0), _N_CH):
        pltpu.make_async_copy(
            gat_v.at[c % _NBUF], _out_slice(c), out_sem.at[c % _NBUF]
        ).wait()


def kernel(input, embed_table):
    idx = input.reshape(_B, _S).astype(jnp.int32)
    pe = _pe_table()
    out = _embed_pe(idx, embed_table, pe)
    return out.reshape(_B, _S, _D)

# --- scband reference (transcript-rebuilt; emitter-appended) ---
"""Pipeline reference for scband-preprocess-1494648619187 (READ-ONLY COPY).

The authoritative reference and input builder live on the scoring server;
editing this copy changes nothing except your own understanding.
"""

import jax, jax.numpy as jnp
import numpy as np

N_VOCAB = 100000
D_MODEL = 768
MAX_LEN = 2048
BATCH = 4
SEQ = 2048


def _pos_encoding(seq_len, d_model):
    pos = np.arange(seq_len, dtype=np.float64)[:, None]
    i = np.arange(d_model, dtype=np.float64)[None, :]
    angle = pos / np.power(10000.0, (2.0 * np.floor(i / 2.0)) / d_model)
    pe = np.where((np.arange(d_model)[None, :] % 2) == 0, np.sin(angle), np.cos(angle))
    return jnp.asarray(pe, dtype=jnp.float32)


def setup_inputs(seed: int = 0) -> dict:
    key = jax.random.key(seed)
    k1, k2 = jax.random.split(key)
    input_ids = jax.random.randint(k1, (BATCH, SEQ), 0, N_VOCAB, dtype=jnp.int64)
    embed_table = jax.random.normal(k2, (N_VOCAB, D_MODEL), dtype=jnp.float32) * 0.02
    return {"input": input_ids, "embed_table": embed_table}


def reference(input, embed_table):
    # nn.Embedding lookup (gather). Original uses fp16 table; we keep fp32 math.
    embed = jnp.take(embed_table, input, axis=0)  # [B, S, D]
    # PositionalEncoding: sinusoidal PE of length seq_len, broadcast over batch.
    seq_len = input.shape[1]
    pe = _pos_encoding(seq_len, embed_table.shape[1])  # [S, D]
    pos = jnp.broadcast_to(pe[None, :, :], embed.shape)
    # Dropout in eval mode == identity.
    return embed + pos

if __name__ == "__main__":
    import jax
    _d = setup_inputs()
    print(jax.jit(kernel)(*tuple(_d.values())))

</pallas_src>

<mosaic_0001>
#map = affine_map<(d0, d1) -> (0, 0)>
module attributes {stable_mosaic.version = 14 : i64} {
  func.func @_embed_pe(%arg0: i32, %arg1: i32, %arg2: memref<4x2048xi32, #tpu.memory_space<hbm>>, %arg3: memref<100000x768xf32, #tpu.memory_space<hbm>>, %arg4: memref<2048x768xf32, #tpu.memory_space<hbm>>, %arg5: memref<8192x768xf32, #tpu.memory_space<hbm>>, %arg6: memref<4x64xi32, #tpu.memory_space<vmem>>, %arg7: memref<64x768xf32, #tpu.memory_space<vmem>>, %arg8: memref<3x32x768xf32, #tpu.memory_space<vmem>>, %arg9: memref<3x!tpu.dma_semaphore, #tpu.memory_space<semaphore_mem>>, %arg10: memref<3x!tpu.dma_semaphore, #tpu.memory_space<semaphore_mem>>, %arg11: memref<!tpu.dma_semaphore, #tpu.memory_space<semaphore_mem>>, %arg12: memref<!tpu.dma_semaphore, #tpu.memory_space<semaphore_mem>>) attributes {dimension_semantics = [#tpu.dimension_semantics<core_parallel>, #tpu.dimension_semantics<subcore_parallel>], iteration_bounds = array<i64: 2, 16>, scalar_prefetch = 0 : i64, scratch_operands = 7 : i64, tpu.core_type = #tpu.core_type<sc_vector_subcore>, window_params = [{transform_indices = #map}, {transform_indices = #map}, {transform_indices = #map}, {transform_indices = #map}]} {
    %mul3A = arith.constant 2 : i32
    %mul3A_0 = arith.muli %arg1, %mul3A : i32
    %add3A = arith.addi %mul3A_0, %arg0 : i32
    %mul3A_1 = arith.constant 64 : i32
    %mul3A_2 = arith.muli %add3A, %mul3A_1 : i32
    %dma_start3A = arith.constant 0 : i32
    %dma_start3A_3 = arith.constant 0 : i32
    %dma_start3A_4 = arith.constant 0 : i32
    %dma_start3A_5 = tpu.memref_slice %arg6[%dma_start3A_3, %dma_start3A_4] : memref<4x64xi32, #tpu.memory_space<vmem>> -> memref<1x64xi32, #tpu.memory_space<vmem>>
    %dma_start3A_6 = tpu.memref_squeeze %dma_start3A_5 : memref<1x64xi32, #tpu.memory_space<vmem>> -> memref<64xi32, #tpu.memory_space<vmem>>
    %dma_start3A_7 = tpu.memref_slice %arg2[%dma_start3A, %mul3A_2] : memref<4x2048xi32, #tpu.memory_space<hbm>> -> memref<1x64xi32, #tpu.memory_space<hbm>>
    %dma_start3A_8 = tpu.memref_squeeze %dma_start3A_7 : memref<1x64xi32, #tpu.memory_space<hbm>> -> memref<64xi32, #tpu.memory_space<hbm>>
    %dma_start3A_9 = arith.constant 0 : i32
    %dma_start3A_10 = tpu.memref_slice %arg6[%dma_start3A_3, %dma_start3A_9] : memref<4x64xi32, #tpu.memory_space<vmem>> -> memref<1x64xi32, #tpu.memory_space<vmem>>
    %dma_start3A_11 = tpu.memref_squeeze %dma_start3A_10 : memref<1x64xi32, #tpu.memory_space<vmem>> -> memref<64xi32, #tpu.memory_space<vmem>>
    %dma_start3A_12 = tpu.memref_slice %arg2[%dma_start3A, %mul3A_2] : memref<4x2048xi32, #tpu.memory_space<hbm>> -> memref<1x64xi32, #tpu.memory_space<hbm>>
    %dma_start3A_13 = tpu.memref_squeeze %dma_start3A_12 : memref<1x64xi32, #tpu.memory_space<hbm>> -> memref<64xi32, #tpu.memory_space<hbm>>
    tpu.enqueue_dma source(%dma_start3A_13 : memref<64xi32, #tpu.memory_space<hbm>>) target(%dma_start3A_11 : memref<64xi32, #tpu.memory_space<vmem>>) target_semaphore(%arg12 : memref<!tpu.dma_semaphore, #tpu.memory_space<semaphore_mem>>)
    %dma_start3A_14 = arith.constant 1 : i32
    %dma_start3A_15 = arith.constant 1 : i32
    %dma_start3A_16 = arith.constant 0 : i32
    %dma_start3A_17 = tpu.memref_slice %arg6[%dma_start3A_15, %dma_start3A_16] : memref<4x64xi32, #tpu.memory_space<vmem>> -> memref<1x64xi32, #tpu.memory_space<vmem>>
    %dma_start3A_18 = tpu.memref_squeeze %dma_start3A_17 : memref<1x64xi32, #tpu.memory_space<vmem>> -> memref<64xi32, #tpu.memory_space<vmem>>
    %dma_start3A_19 = tpu.memref_slice %arg2[%dma_start3A_14, %mul3A_2] : memref<4x2048xi32, #tpu.memory_space<hbm>> -> memref<1x64xi32, #tpu.memory_space<hbm>>
    %dma_start3A_20 = tpu.memref_squeeze %dma_start3A_19 : memref<1x64xi32, #tpu.memory_space<hbm>> -> memref<64xi32, #tpu.memory_space<hbm>>
    %dma_start3A_21 = arith.constant 0 : i32
    %dma_start3A_22 = tpu.memref_slice %arg6[%dma_start3A_15, %dma_start3A_21] : memref<4x64xi32, #tpu.memory_space<vmem>> -> memref<1x64xi32, #tpu.memory_space<vmem>>
    %dma_start3A_23 = tpu.memref_squeeze %dma_start3A_22 : memref<1x64xi32, #tpu.memory_space<vmem>> -> memref<64xi32, #tpu.memory_space<vmem>>
    %dma_start3A_24 = tpu.memref_slice %arg2[%dma_start3A_14, %mul3A_2] : memref<4x2048xi32, #tpu.memory_space<hbm>> -> memref<1x64xi32, #tpu.memory_space<hbm>>
    %dma_start3A_25 = tpu.memref_squeeze %dma_start3A_24 : memref<1x64xi32, #tpu.memory_space<hbm>> -> memref<64xi32, #tpu.memory_space<hbm>>
    tpu.enqueue_dma source(%dma_start3A_25 : memref<64xi32, #tpu.memory_space<hbm>>) target(%dma_start3A_23 : memref<64xi32, #tpu.memory_space<vmem>>) target_semaphore(%arg12 : memref<!tpu.dma_semaphore, #tpu.memory_space<semaphore_mem>>)
    %dma_start3A_26 = arith.constant 2 : i32
    %dma_start3A_27 = arith.constant 2 : i32
    %dma_start3A_28 = arith.constant 0 : i32
    %dma_start3A_29 = tpu.memref_slice %arg6[%dma_start3A_27, %dma_start3A_28] : memref<4x64xi32, #tpu.memory_space<vmem>> -> memref<1x64xi32, #tpu.memory_space<vmem>>
    %dma_start3A_30 = tpu.memref_squeeze %dma_start3A_29 : memref<1x64xi32, #tpu.memory_space<vmem>> -> memref<64xi32, #tpu.memory_space<vmem>>
    %dma_start3A_31 = tpu.memref_slice %arg2[%dma_start3A_26, %mul3A_2] : memref<4x2048xi32, #tpu.memory_space<hbm>> -> memref<1x64xi32, #tpu.memory_space<hbm>>
    %dma_start3A_32 = tpu.memref_squeeze %dma_start3A_31 : memref<1x64xi32, #tpu.memory_space<hbm>> -> memref<64xi32, #tpu.memory_space<hbm>>
    %dma_start3A_33 = arith.constant 0 : i32
    %dma_start3A_34 = tpu.memref_slice %arg6[%dma_start3A_27, %dma_start3A_33] : memref<4x64xi32, #tpu.memory_space<vmem>> -> memref<1x64xi32, #tpu.memory_space<vmem>>
    %dma_start3A_35 = tpu.memref_squeeze %dma_start3A_34 : memref<1x64xi32, #tpu.memory_space<vmem>> -> memref<64xi32, #tpu.memory_space<vmem>>
    %dma_start3A_36 = tpu.memref_slice %arg2[%dma_start3A_26, %mul3A_2] : memref<4x2048xi32, #tpu.memory_space<hbm>> -> memref<1x64xi32, #tpu.memory_space<hbm>>
    %dma_start3A_37 = tpu.memref_squeeze %dma_start3A_36 : memref<1x64xi32, #tpu.memory_space<hbm>> -> memref<64xi32, #tpu.memory_space<hbm>>
    tpu.enqueue_dma source(%dma_start3A_37 : memref<64xi32, #tpu.memory_space<hbm>>) target(%dma_start3A_35 : memref<64xi32, #tpu.memory_space<vmem>>) target_semaphore(%arg12 : memref<!tpu.dma_semaphore, #tpu.memory_space<semaphore_mem>>)
    %dma_start3A_38 = arith.constant 3 : i32
    %dma_start3A_39 = arith.constant 3 : i32
    %dma_start3A_40 = arith.constant 0 : i32
    %dma_start3A_41 = tpu.memref_slice %arg6[%dma_start3A_39, %dma_start3A_40] : memref<4x64xi32, #tpu.memory_space<vmem>> -> memref<1x64xi32, #tpu.memory_space<vmem>>
    %dma_start3A_42 = tpu.memref_squeeze %dma_start3A_41 : memref<1x64xi32, #tpu.memory_space<vmem>> -> memref<64xi32, #tpu.memory_space<vmem>>
    %dma_start3A_43 = tpu.memref_slice %arg2[%dma_start3A_38, %mul3A_2] : memref<4x2048xi32, #tpu.memory_space<hbm>> -> memref<1x64xi32, #tpu.memory_space<hbm>>
    %dma_start3A_44 = tpu.memref_squeeze %dma_start3A_43 : memref<1x64xi32, #tpu.memory_space<hbm>> -> memref<64xi32, #tpu.memory_space<hbm>>
    %dma_start3A_45 = arith.constant 0 : i32
    %dma_start3A_46 = tpu.memref_slice %arg6[%dma_start3A_39, %dma_start3A_45] : memref<4x64xi32, #tpu.memory_space<vmem>> -> memref<1x64xi32, #tpu.memory_space<vmem>>
    %dma_start3A_47 = tpu.memref_squeeze %dma_start3A_46 : memref<1x64xi32, #tpu.memory_space<vmem>> -> memref<64xi32, #tpu.memory_space<vmem>>
    %dma_start3A_48 = tpu.memref_slice %arg2[%dma_start3A_38, %mul3A_2] : memref<4x2048xi32, #tpu.memory_space<hbm>> -> memref<1x64xi32, #tpu.memory_space<hbm>>
    %dma_start3A_49 = tpu.memref_squeeze %dma_start3A_48 : memref<1x64xi32, #tpu.memory_space<hbm>> -> memref<64xi32, #tpu.memory_space<hbm>>
    tpu.enqueue_dma source(%dma_start3A_49 : memref<64xi32, #tpu.memory_space<hbm>>) target(%dma_start3A_47 : memref<64xi32, #tpu.memory_space<vmem>>) target_semaphore(%arg12 : memref<!tpu.dma_semaphore, #tpu.memory_space<semaphore_mem>>)
    %dma_start3A_50 = arith.constant 0 : i32
    %dma_start3A_51 = tpu.memref_slice %arg4[%mul3A_2, %dma_start3A_50] : memref<2048x768xf32, #tpu.memory_space<hbm>> -> memref<64x768xf32, #tpu.memory_space<hbm>>
    %dma_start3A_52 = arith.constant 0 : i32
    %dma_start3A_53 = tpu.memref_slice %arg4[%mul3A_2, %dma_start3A_52] : memref<2048x768xf32, #tpu.memory_space<hbm>> -> memref<64x768xf32, #tpu.memory_space<hbm>>
    tpu.enqueue_dma source(%dma_start3A_53 : memref<64x768xf32, #tpu.memory_space<hbm>>) target(%arg7 : memref<64x768xf32, #tpu.memory_space<vmem>>) target_semaphore(%arg11 : memref<!tpu.dma_semaphore, #tpu.memory_space<semaphore_mem>>)
    %dma_wait3A = arith.constant 0 : i32
    %dma_wait3A_54 = arith.constant 0 : i32
    %dma_wait3A_55 = arith.constant 0 : i32
    %dma_wait3A_56 = tpu.memref_slice %arg6[%dma_wait3A_54, %dma_wait3A_55] : memref<4x64xi32, #tpu.memory_space<vmem>> -> memref<1x64xi32, #tpu.memory_space<vmem>>
    %dma_wait3A_57 = tpu.memref_squeeze %dma_wait3A_56 : memref<1x64xi32, #tpu.memory_space<vmem>> -> memref<64xi32, #tpu.memory_space<vmem>>
    %dma_wait3A_58 = tpu.memref_slice %arg2[%dma_wait3A, %mul3A_2] : memref<4x2048xi32, #tpu.memory_space<hbm>> -> memref<1x64xi32, #tpu.memory_space<hbm>>
    %dma_wait3A_59 = tpu.memref_squeeze %dma_wait3A_58 : memref<1x64xi32, #tpu.memory_space<hbm>> -> memref<64xi32, #tpu.memory_space<hbm>>
    %dma_wait3A_60 = arith.constant 0 : i32
    %dma_wait3A_61 = tpu.memref_slice %arg6[%dma_wait3A_54, %dma_wait3A_60] : memref<4x64xi32, #tpu.memory_space<vmem>> -> memref<1x64xi32, #tpu.memory_space<vmem>>
    %dma_wait3A_62 = tpu.memref_squeeze %dma_wait3A_61 : memref<1x64xi32, #tpu.memory_space<vmem>> -> memref<64xi32, #tpu.memory_space<vmem>>
    %dma_wait3A_63 = tpu.memref_slice %arg2[%dma_wait3A, %mul3A_2] : memref<4x2048xi32, #tpu.memory_space<hbm>> -> memref<1x64xi32, #tpu.memory_space<hbm>>
    %dma_wait3A_64 = tpu.memref_squeeze %dma_wait3A_63 : memref<1x64xi32, #tpu.memory_space<hbm>> -> memref<64xi32, #tpu.memory_space<hbm>>
    tpu.wait_dma2 semaphore(%arg12 : memref<!tpu.dma_semaphore, #tpu.memory_space<semaphore_mem>>) src(%dma_wait3A_64 : memref<64xi32, #tpu.memory_space<hbm>>) dst(%dma_wait3A_62 : memref<64xi32, #tpu.memory_space<vmem>>)
    %dma_wait3A_65 = arith.constant 1 : i32
    %dma_wait3A_66 = arith.constant 1 : i32
    %dma_wait3A_67 = arith.constant 0 : i32
    %dma_wait3A_68 = tpu.memref_slice %arg6[%dma_wait3A_66, %dma_wait3A_67] : memref<4x64xi32, #tpu.memory_space<vmem>> -> memref<1x64xi32, #tpu.memory_space<vmem>>
    %dma_wait3A_69 = tpu.memref_squeeze %dma_wait3A_68 : memref<1x64xi32, #tpu.memory_space<vmem>> -> memref<64xi32, #tpu.memory_space<vmem>>
    %dma_wait3A_70 = tpu.memref_slice %arg2[%dma_wait3A_65, %mul3A_2] : memref<4x2048xi32, #tpu.memory_space<hbm>> -> memref<1x64xi32, #tpu.memory_space<hbm>>
    %dma_wait3A_71 = tpu.memref_squeeze %dma_wait3A_70 : memref<1x64xi32, #tpu.memory_space<hbm>> -> memref<64xi32, #tpu.memory_space<hbm>>
    %dma_wait3A_72 = arith.constant 0 : i32
    %dma_wait3A_73 = tpu.memref_slice %arg6[%dma_wait3A_66, %dma_wait3A_72] : memref<4x64xi32, #tpu.memory_space<vmem>> -> memref<1x64xi32, #tpu.memory_space<vmem>>
    %dma_wait3A_74 = tpu.memref_squeeze %dma_wait3A_73 : memref<1x64xi32, #tpu.memory_space<vmem>> -> memref<64xi32, #tpu.memory_space<vmem>>
    %dma_wait3A_75 = tpu.memref_slice %arg2[%dma_wait3A_65, %mul3A_2] : memref<4x2048xi32, #tpu.memory_space<hbm>> -> memref<1x64xi32, #tpu.memory_space<hbm>>
    %dma_wait3A_76 = tpu.memref_squeeze %dma_wait3A_75 : memref<1x64xi32, #tpu.memory_space<hbm>> -> memref<64xi32, #tpu.memory_space<hbm>>
    tpu.wait_dma2 semaphore(%arg12 : memref<!tpu.dma_semaphore, #tpu.memory_space<semaphore_mem>>) src(%dma_wait3A_76 : memref<64xi32, #tpu.memory_space<hbm>>) dst(%dma_wait3A_74 : memref<64xi32, #tpu.memory_space<vmem>>)
    %dma_wait3A_77 = arith.constant 2 : i32
    %dma_wait3A_78 = arith.constant 2 : i32
    %dma_wait3A_79 = arith.constant 0 : i32
    %dma_wait3A_80 = tpu.memref_slice %arg6[%dma_wait3A_78, %dma_wait3A_79] : memref<4x64xi32, #tpu.memory_space<vmem>> -> memref<1x64xi32, #tpu.memory_space<vmem>>
    %dma_wait3A_81 = tpu.memref_squeeze %dma_wait3A_80 : memref<1x64xi32, #tpu.memory_space<vmem>> -> memref<64xi32, #tpu.memory_space<vmem>>
    %dma_wait3A_82 = tpu.memref_slice %arg2[%dma_wait3A_77, %mul3A_2] : memref<4x2048xi32, #tpu.memory_space<hbm>> -> memref<1x64xi32, #tpu.memory_space<hbm>>
    %dma_wait3A_83 = tpu.memref_squeeze %dma_wait3A_82 : memref<1x64xi32, #tpu.memory_space<hbm>> -> memref<64xi32, #tpu.memory_space<hbm>>
    %dma_wait3A_84 = arith.constant 0 : i32
    %dma_wait3A_85 = tpu.memref_slice %arg6[%dma_wait3A_78, %dma_wait3A_84] : memref<4x64xi32, #tpu.memory_space<vmem>> -> memref<1x64xi32, #tpu.memory_space<vmem>>
    %dma_wait3A_86 = tpu.memref_squeeze %dma_wait3A_85 : memref<1x64xi32, #tpu.memory_space<vmem>> -> memref<64xi32, #tpu.memory_space<vmem>>
    %dma_wait3A_87 = tpu.memref_slice %arg2[%dma_wait3A_77, %mul3A_2] : memref<4x2048xi32, #tpu.memory_space<hbm>> -> memref<1x64xi32, #tpu.memory_space<hbm>>
    %dma_wait3A_88 = tpu.memref_squeeze %dma_wait3A_87 : memref<1x64xi32, #tpu.memory_space<hbm>> -> memref<64xi32, #tpu.memory_space<hbm>>
    tpu.wait_dma2 semaphore(%arg12 : memref<!tpu.dma_semaphore, #tpu.memory_space<semaphore_mem>>) src(%dma_wait3A_88 : memref<64xi32, #tpu.memory_space<hbm>>) dst(%dma_wait3A_86 : memref<64xi32, #tpu.memory_space<vmem>>)
    %dma_wait3A_89 = arith.constant 3 : i32
    %dma_wait3A_90 = arith.constant 3 : i32
    %dma_wait3A_91 = arith.constant 0 : i32
    %dma_wait3A_92 = tpu.memref_slice %arg6[%dma_wait3A_90, %dma_wait3A_91] : memref<4x64xi32, #tpu.memory_space<vmem>> -> memref<1x64xi32, #tpu.memory_space<vmem>>
    %dma_wait3A_93 = tpu.memref_squeeze %dma_wait3A_92 : memref<1x64xi32, #tpu.memory_space<vmem>> -> memref<64xi32, #tpu.memory_space<vmem>>
    %dma_wait3A_94 = tpu.memref_slice %arg2[%dma_wait3A_89, %mul3A_2] : memref<4x2048xi32, #tpu.memory_space<hbm>> -> memref<1x64xi32, #tpu.memory_space<hbm>>
    %dma_wait3A_95 = tpu.memref_squeeze %dma_wait3A_94 : memref<1x64xi32, #tpu.memory_space<hbm>> -> memref<64xi32, #tpu.memory_space<hbm>>
    %dma_wait3A_96 = arith.constant 0 : i32
    %dma_wait3A_97 = tpu.memref_slice %arg6[%dma_wait3A_90, %dma_wait3A_96] : memref<4x64xi32, #tpu.memory_space<vmem>> -> memref<1x64xi32, #tpu.memory_space<vmem>>
    %dma_wait3A_98 = tpu.memref_squeeze %dma_wait3A_97 : memref<1x64xi32, #tpu.memory_space<vmem>> -> memref<64xi32, #tpu.memory_space<vmem>>
    %dma_wait3A_99 = tpu.memref_slice %arg2[%dma_wait3A_89, %mul3A_2] : memref<4x2048xi32, #tpu.memory_space<hbm>> -> memref<1x64xi32, #tpu.memory_space<hbm>>
    %dma_wait3A_100 = tpu.memref_squeeze %dma_wait3A_99 : memref<1x64xi32, #tpu.memory_space<hbm>> -> memref<64xi32, #tpu.memory_space<hbm>>
    tpu.wait_dma2 semaphore(%arg12 : memref<!tpu.dma_semaphore, #tpu.memory_space<semaphore_mem>>) src(%dma_wait3A_100 : memref<64xi32, #tpu.memory_space<hbm>>) dst(%dma_wait3A_98 : memref<64xi32, #tpu.memory_space<vmem>>)
    %dma_start3A_101 = arith.constant 0 : i32
    %dma_start3A_102 = arith.constant 0 : i32
    %dma_start3A_103 = arith.constant 0 : i32
    %dma_start3A_104 = arith.constant 0 : i32
    %dma_start3A_105 = arith.constant 0 : i32
    %dma_start3A_106 = tpu.memref_slice %arg8[%dma_start3A_102, %dma_start3A_104, %dma_start3A_105] : memref<3x32x768xf32, #tpu.memory_space<vmem>> -> memref<1x32x768xf32, #tpu.memory_space<vmem>>
    %dma_start3A_107 = tpu.memref_squeeze %dma_start3A_106 : memref<1x32x768xf32, #tpu.memory_space<vmem>> -> memref<32x768xf32, #tpu.memory_space<vmem>>
    %dma_start3A_108 = arith.constant 0 : i32
    %dma_start3A_109 = tpu.memref_slice %arg6[%dma_start3A_101, %dma_start3A_108] : memref<4x64xi32, #tpu.memory_space<vmem>> -> memref<1x32xi32, #tpu.memory_space<vmem>>
    %dma_start3A_110 = tpu.memref_squeeze %dma_start3A_109 : memref<1x32xi32, #tpu.memory_space<vmem>> -> memref<32xi32, #tpu.memory_space<vmem>>
    %dma_start3A_111 = arith.constant 0 : i32
    %dma_start3A_112 = arith.constant 0 : i32
    %dma_start3A_113 = tpu.memref_slice %arg3[%dma_start3A_111, %dma_start3A_112] : memref<100000x768xf32, #tpu.memory_space<hbm>> -> memref<100000x768xf32, #tpu.memory_space<hbm>>
    %dma_start3A_114 = tpu.memref_slice %arg9[%dma_start3A_103] : memref<3x!tpu.dma_semaphore, #tpu.memory_space<semaphore_mem>> -> memref<1x!tpu.dma_semaphore, #tpu.memory_space<semaphore_mem>>
    %dma_start3A_115 = tpu.memref_squeeze %dma_start3A_114 : memref<1x!tpu.dma_semaphore, #tpu.memory_space<semaphore_mem>> -> memref<!tpu.dma_semaphore, #tpu.memory_space<semaphore_mem>>
    tpu.enqueue_indirect_dma source(%dma_start3A_113 : memref<100000x768xf32, #tpu.memory_space<hbm>>) target(%dma_start3A_107 : memref<32x768xf32, #tpu.memory_space<vmem>>) offsets(%dma_start3A_110 : memref<32xi32, #tpu.memory_space<vmem>>) semaphore(%dma_start3A_115 : memref<!tpu.dma_semaphore, #tpu.memory_space<semaphore_mem>>)
    %dma_start3A_116 = arith.constant 0 : i32
    %dma_start3A_117 = arith.constant 1 : i32
    %dma_start3A_118 = arith.constant 1 : i32
    %dma_start3A_119 = arith.constant 0 : i32
    %dma_start3A_120 = arith.constant 0 : i32
    %dma_start3A_121 = tpu.memref_slice %arg8[%dma_start3A_117, %dma_start3A_119, %dma_start3A_120] : memref<3x32x768xf32, #tpu.memory_space<vmem>> -> memref<1x32x768xf32, #tpu.memory_space<vmem>>
    %dma_start3A_122 = tpu.memref_squeeze %dma_start3A_121 : memref<1x32x768xf32, #tpu.memory_space<vmem>> -> memref<32x768xf32, #tpu.memory_space<vmem>>
    %dma_start3A_123 = arith.constant 32 : i32
    %dma_start3A_124 = tpu.memref_slice %arg6[%dma_start3A_116, %dma_start3A_123] : memref<4x64xi32, #tpu.memory_space<vmem>> -> memref<1x32xi32, #tpu.memory_space<vmem>>
    %dma_start3A_125 = tpu.memref_squeeze %dma_start3A_124 : memref<1x32xi32, #tpu.memory_space<vmem>> -> memref<32xi32, #tpu.memory_space<vmem>>
    %dma_start3A_126 = arith.constant 0 : i32
    %dma_start3A_127 = arith.constant 0 : i32
    %dma_start3A_128 = tpu.memref_slice %arg3[%dma_start3A_126, %dma_start3A_127] : memref<100000x768xf32, #tpu.memory_space<hbm>> -> memref<100000x768xf32, #tpu.memory_space<hbm>>
    %dma_start3A_129 = tpu.memref_slice %arg9[%dma_start3A_118] : memref<3x!tpu.dma_semaphore, #tpu.memory_space<semaphore_mem>> -> memref<1x!tpu.dma_semaphore, #tpu.memory_space<semaphore_mem>>
    %dma_start3A_130 = tpu.memref_squeeze %dma_start3A_129 : memref<1x!tpu.dma_semaphore, #tpu.memory_space<semaphore_mem>> -> memref<!tpu.dma_semaphore, #tpu.memory_space<semaphore_mem>>
    tpu.enqueue_indirect_dma source(%dma_start3A_128 : memref<100000x768xf32, #tpu.memory_space<hbm>>) target(%dma_start3A_122 : memref<32x768xf32, #tpu.memory_space<vmem>>) offsets(%dma_start3A_125 : memref<32xi32, #tpu.memory_space<vmem>>) semaphore(%dma_start3A_130 : memref<!tpu.dma_semaphore, #tpu.memory_space<semaphore_mem>>)
    %dma_start3A_131 = arith.constant 1 : i32
    %dma_start3A_132 = arith.constant 2 : i32
    %dma_start3A_133 = arith.constant 2 : i32
    %dma_start3A_134 = arith.constant 0 : i32
    %dma_start3A_135 = arith.constant 0 : i32
    %dma_start3A_136 = tpu.memref_slice %arg8[%dma_start3A_132, %dma_start3A_134, %dma_start3A_135] : memref<3x32x768xf32, #tpu.memory_space<vmem>> -> memref<1x32x768xf32, #tpu.memory_space<vmem>>
    %dma_start3A_137 = tpu.memref_squeeze %dma_start3A_136 : memref<1x32x768xf32, #tpu.memory_space<vmem>> -> memref<32x768xf32, #tpu.memory_space<vmem>>
    %dma_start3A_138 = arith.constant 0 : i32
    %dma_start3A_139 = tpu.memref_slice %arg6[%dma_start3A_131, %dma_start3A_138] : memref<4x64xi32, #tpu.memory_space<vmem>> -> memref<1x32xi32, #tpu.memory_space<vmem>>
    %dma_start3A_140 = tpu.memref_squeeze %dma_start3A_139 : memref<1x32xi32, #tpu.memory_space<vmem>> -> memref<32xi32, #tpu.memory_space<vmem>>
    %dma_start3A_141 = arith.constant 0 : i32
    %dma_start3A_142 = arith.constant 0 : i32
    %dma_start3A_143 = tpu.memref_slice %arg3[%dma_start3A_141, %dma_start3A_142] : memref<100000x768xf32, #tpu.memory_space<hbm>> -> memref<100000x768xf32, #tpu.memory_space<hbm>>
    %dma_start3A_144 = tpu.memref_slice %arg9[%dma_start3A_133] : memref<3x!tpu.dma_semaphore, #tpu.memory_space<semaphore_mem>> -> memref<1x!tpu.dma_semaphore, #tpu.memory_space<semaphore_mem>>
    %dma_start3A_145 = tpu.memref_squeeze %dma_start3A_144 : memref<1x!tpu.dma_semaphore, #tpu.memory_space<semaphore_mem>> -> memref<!tpu.dma_semaphore, #tpu.memory_space<semaphore_mem>>
    tpu.enqueue_indirect_dma source(%dma_start3A_143 : memref<100000x768xf32, #tpu.memory_space<hbm>>) target(%dma_start3A_137 : memref<32x768xf32, #tpu.memory_space<vmem>>) offsets(%dma_start3A_140 : memref<32xi32, #tpu.memory_space<vmem>>) semaphore(%dma_start3A_145 : memref<!tpu.dma_semaphore, #tpu.memory_space<semaphore_mem>>)
    %scan3A = arith.constant 0 : i32
    %scan3A_146 = arith.constant 0 : i32
    %scan3A_147 = arith.constant 8 : i32
    %scan3A_148 = arith.addi %scan3A_146, %scan3A_147 : i32
    %scan3A_149 = arith.constant 1 : i32
    scf.for %scan3A_211 = %scan3A_146 to %scan3A_148 step %scan3A_149  : i32 {
      %jit3A = arith.constant 3 : i32
      %eq3A = arith.constant 0 : i32
      %eq3A_212 = arith.cmpi eq, %jit3A, %eq3A : i32
      %jit3A_213 = arith.constant 1 : i32
      %select_n3A = arith.select %eq3A_212, %jit3A_213, %jit3A : i32
      %rem3A = arith.remsi %scan3A_211, %select_n3A : i32
      %ne3A = arith.constant 0 : i32
      %ne3A_214 = arith.cmpi ne, %rem3A, %ne3A : i32
      %lt3A = arith.constant 0 : i32
      %lt3A_215 = arith.cmpi slt, %rem3A, %lt3A : i32
      %lt3A_216 = arith.constant 0 : i32
      %lt3A_217 = arith.cmpi slt, %select_n3A, %lt3A_216 : i32
      %ne3A_218 = arith.xori %lt3A_215, %lt3A_217 : i1
      %and3A = arith.andi %ne3A_218, %ne3A_214 : i1
      %add3A_219 = arith.addi %rem3A, %select_n3A : i32
      %select_n3A_220 = arith.select %and3A, %add3A_219, %rem3A : i32
      %jit3A_221 = arith.constant 2 : i32
      %div3A = arith.divsi %scan3A_211, %jit3A_221 : i32
      %sign3A = arith.constant 0 : i32
      %sign3A_222 = arith.cmpi sgt, %scan3A_211, %sign3A : i32
      %sign3A_223 = arith.extui %sign3A_222 : i1 to i32
      %sign3A_224 = arith.constant 0 : i32
      %sign3A_225 = arith.cmpi slt, %scan3A_211, %sign3A_224 : i32
      %sign3A_226 = arith.extui %sign3A_225 : i1 to i32
      %sign3A_227 = arith.subi %sign3A_223, %sign3A_226 : i32
      %sign3A_228 = arith.constant 0 : i32
      %sign3A_229 = arith.cmpi sgt, %jit3A_221, %sign3A_228 : i32
      %sign3A_230 = arith.extui %sign3A_229 : i1 to i32
      %sign3A_231 = arith.constant 0 : i32
      %sign3A_232 = arith.cmpi slt, %jit3A_221, %sign3A_231 : i32
      %sign3A_233 = arith.extui %sign3A_232 : i1 to i32
      %sign3A_234 = arith.subi %sign3A_230, %sign3A_233 : i32
      %ne3A_235 = arith.cmpi ne, %sign3A_227, %sign3A_234 : i32
      %rem3A_236 = arith.remsi %scan3A_211, %jit3A_221 : i32
      %ne3A_237 = arith.constant 0 : i32
      %ne3A_238 = arith.cmpi ne, %rem3A_236, %ne3A_237 : i32
      %and3A_239 = arith.andi %ne3A_235, %ne3A_238 : i1
      %sub3A = arith.constant 1 : i32
      %sub3A_240 = arith.subi %div3A, %sub3A : i32
      %select_n3A_241 = arith.select %and3A_239, %sub3A_240, %div3A : i32
      %mul3A_242 = arith.constant 2 : i32
      %mul3A_243 = arith.muli %select_n3A_241, %mul3A_242 : i32
      %sub3A_244 = arith.subi %scan3A_211, %mul3A_243 : i32
      %dma_wait3A_245 = arith.constant 0 : i32
      %dma_wait3A_246 = arith.constant 0 : i32
      %dma_wait3A_247 = arith.constant 0 : i32
      %dma_wait3A_248 = tpu.memref_slice %arg8[%select_n3A_220, %dma_wait3A_246, %dma_wait3A_247] : memref<3x32x768xf32, #tpu.memory_space<vmem>> -> memref<1x32x768xf32, #tpu.memory_space<vmem>>
      %dma_wait3A_249 = tpu.memref_squeeze %dma_wait3A_248 : memref<1x32x768xf32, #tpu.memory_space<vmem>> -> memref<32x768xf32, #tpu.memory_space<vmem>>
      %dma_wait3A_250 = arith.constant 0 : i32
      %dma_wait3A_251 = tpu.memref_slice %arg6[%dma_wait3A_245, %dma_wait3A_250] : memref<4x64xi32, #tpu.memory_space<vmem>> -> memref<1x32xi32, #tpu.memory_space<vmem>>
      %dma_wait3A_252 = tpu.memref_squeeze %dma_wait3A_251 : memref<1x32xi32, #tpu.memory_space<vmem>> -> memref<32xi32, #tpu.memory_space<vmem>>
      %dma_wait3A_253 = arith.constant 0 : i32
      %dma_wait3A_254 = arith.constant 0 : i32
      %dma_wait3A_255 = tpu.memref_slice %arg3[%dma_wait3A_253, %dma_wait3A_254] : memref<100000x768xf32, #tpu.memory_space<hbm>> -> memref<100000x768xf32, #tpu.memory_space<hbm>>
      %dma_wait3A_256 = tpu.memref_slice %arg9[%select_n3A_220] : memref<3x!tpu.dma_semaphore, #tpu.memory_space<semaphore_mem>> -> memref<1x!tpu.dma_semaphore, #tpu.memory_space<semaphore_mem>>
      %dma_wait3A_257 = tpu.memref_squeeze %dma_wait3A_256 : memref<1x!tpu.dma_semaphore, #tpu.memory_space<semaphore_mem>> -> memref<!tpu.dma_semaphore, #tpu.memory_space<semaphore_mem>>
      tpu.wait_indirect_dma semaphore(%dma_wait3A_257 : memref<!tpu.dma_semaphore, #tpu.memory_space<semaphore_mem>>) src(%dma_wait3A_255 : memref<100000x768xf32, #tpu.memory_space<hbm>>) dst(%dma_wait3A_249 : memref<32x768xf32, #tpu.memory_space<vmem>>)
      %eq3A_258 = arith.constant 0 : i32
      %eq3A_259 = arith.cmpi eq, %scan3A_211, %eq3A_258 : i32
      %convert_element_type3A = arith.extui %eq3A_259 : i1 to i32
      %cond3A = arith.constant 0 : i32
      %cond3A_260 = arith.cmpi ne, %convert_element_type3A, %cond3A : i32
      scf.if %cond3A_260 {
        %dma_wait3A_321 = arith.constant 0 : i32
        %dma_wait3A_322 = tpu.memref_slice %arg4[%mul3A_2, %dma_wait3A_321] : memref<2048x768xf32, #tpu.memory_space<hbm>> -> memref<64x768xf32, #tpu.memory_space<hbm>>
        %dma_wait3A_323 = arith.constant 0 : i32
        %dma_wait3A_324 = tpu.memref_slice %arg4[%mul3A_2, %dma_wait3A_323] : memref<2048x768xf32, #tpu.memory_space<hbm>> -> memref<64x768xf32, #tpu.memory_space<hbm>>
        tpu.wait_dma2 semaphore(%arg11 : memref<!tpu.dma_semaphore, #tpu.memory_space<semaphore_mem>>) src(%dma_wait3A_324 : memref<64x768xf32, #tpu.memory_space<hbm>>) dst(%arg7 : memref<64x768xf32, #tpu.memory_space<vmem>>)
      } else {
      }
      %parallel_loop3A = arith.constant 0 : i32
      %parallel_loop3A_261 = arith.constant 32 : i32
      %parallel_loop3A_262 = arith.constant 1 : i32
      scf.for %parallel_loop3A_321 = %parallel_loop3A to %parallel_loop3A_261 step %parallel_loop3A_262  : i32 {
        %parallel_loop3A_322 = arith.constant 32 : i32
        %parallel_loop3A_323 = arith.muli %sub3A_244, %parallel_loop3A_322 : i32
        %parallel_loop3A_324 = arith.addi %parallel_loop3A_323, %parallel_loop3A_321 : i32
        %parallel_loop3A_325 = arith.index_cast %parallel_loop3A_324 : i32 to index
        %parallel_loop3A_326 = arith.constant 0 : index
        %parallel_loop3A_327 = tpu.vector_load %arg7[%parallel_loop3A_325, %parallel_loop3A_326] {strides = array<i32>} : memref<64x768xf32, #tpu.memory_space<vmem>>, vector<1x16xf32>,
        %parallel_loop3A_328 = vector.shape_cast %parallel_loop3A_327 : vector<1x16xf32> to vector<16xf32>
        %parallel_loop3A_329 = arith.index_cast %select_n3A_220 : i32 to index
        %parallel_loop3A_330 = arith.index_cast %parallel_loop3A_321 : i32 to index
        %parallel_loop3A_331 = arith.constant 0 : index
        %parallel_loop3A_332 = tpu.vector_load %arg8[%parallel_loop3A_329, %parallel_loop3A_330, %parallel_loop3A_331] {strides = array<i32>} : memref<3x32x768xf32, #tpu.memory_space<vmem>>, vector<1x1x16xf32>,
        %parallel_loop3A_333 = vector.shape_cast %parallel_loop3A_332 : vector<1x1x16xf32> to vector<16xf32>
        %parallel_loop3A_334 = vector.shape_cast %parallel_loop3A_328 : vector<16xf32> to vector<1x1x16xf32>
        tpu.vector_store %arg8[%parallel_loop3A_329, %parallel_loop3A_330, %parallel_loop3A_331], %parallel_loop3A_334 {add = true, strides = array<i32>} : memref<3x32x768xf32, #tpu.memory_space<vmem>>, vector<1x1x16xf32>,
        %parallel_loop3A_335 = arith.constant 32 : i32
        %parallel_loop3A_336 = arith.muli %sub3A_244, %parallel_loop3A_335 : i32
        %parallel_loop3A_337 = arith.addi %parallel_loop3A_336, %parallel_loop3A_321 : i32
        %parallel_loop3A_338 = arith.index_cast %parallel_loop3A_337 : i32 to index
        %parallel_loop3A_339 = arith.constant 16 : index
        %parallel_loop3A_340 = tpu.vector_load %arg7[%parallel_loop3A_338, %parallel_loop3A_339] {strides = array<i32>} : memref<64x768xf32, #tpu.memory_space<vmem>>, vector<1x16xf32>,
        %parallel_loop3A_341 = vector.shape_cast %parallel_loop3A_340 : vector<1x16xf32> to vector<16xf32>
        %parallel_loop3A_342 = arith.index_cast %select_n3A_220 : i32 to index
        %parallel_loop3A_343 = arith.index_cast %parallel_loop3A_321 : i32 to index
        %parallel_loop3A_344 = arith.constant 16 : index
        %parallel_loop3A_345 = tpu.vector_load %arg8[%parallel_loop3A_342, %parallel_loop3A_343, %parallel_loop3A_344] {strides = array<i32>} : memref<3x32x768xf32, #tpu.memory_space<vmem>>, vector<1x1x16xf32>,
        %parallel_loop3A_346 = vector.shape_cast %parallel_loop3A_345 : vector<1x1x16xf32> to vector<16xf32>
        %parallel_loop3A_347 = vector.shape_cast %parallel_loop3A_341 : vector<16xf32> to vector<1x1x16xf32>
        tpu.vector_store %arg8[%parallel_loop3A_342, %parallel_loop3A_343, %parallel_loop3A_344], %parallel_loop3A_347 {add = true, strides = array<i32>} : memref<3x32x768xf32, #tpu.memory_space<vmem>>, vector<1x1x16xf32>,
        %parallel_loop3A_348 = arith.constant 32 : i32
        %parallel_loop3A_349 = arith.muli %sub3A_244, %parallel_loop3A_348 : i32
        %parallel_loop3A_350 = arith.addi %parallel_loop3A_349, %parallel_loop3A_321 : i32
        %parallel_loop3A_351 = arith.index_cast %parallel_loop3A_350 : i32 to index
        %parallel_loop3A_352 = arith.constant 32 : index
        %parallel_loop3A_353 = tpu.vector_load %arg7[%parallel_loop3A_351, %parallel_loop3A_352] {strides = array<i32>} : memref<64x768xf32, #tpu.memory_space<vmem>>, vector<1x16xf32>,
        %parallel_loop3A_354 = vector.shape_cast %parallel_loop3A_353 : vector<1x16xf32> to vector<16xf32>
        %parallel_loop3A_355 = arith.index_cast %select_n3A_220 : i32 to index
        %parallel_loop3A_356 = arith.index_cast %parallel_loop3A_321 : i32 to index
        %parallel_loop3A_357 = arith.constant 32 : index
        %parallel_loop3A_358 = tpu.vector_load %arg8[%parallel_loop3A_355, %parallel_loop3A_356, %parallel_loop3A_357] {strides = array<i32>} : memref<3x32x768xf32, #tpu.memory_space<vmem>>, vector<1x1x16xf32>,
        %parallel_loop3A_359 = vector.shape_cast %parallel_loop3A_358 : vector<1x1x16xf32> to vector<16xf32>
        %parallel_loop3A_360 = vector.shape_cast %parallel_loop3A_354 : vector<16xf32> to vector<1x1x16xf32>
        tpu.vector_store %arg8[%parallel_loop3A_355, %parallel_loop3A_356, %parallel_loop3A_357], %parallel_loop3A_360 {add = true, strides = array<i32>} : memref<3x32x768xf32, #tpu.memory_space<vmem>>, vector<1x1x16xf32>,
        %parallel_loop3A_361 = arith.constant 32 : i32
        %parallel_loop3A_362 = arith.muli %sub3A_244, %parallel_loop3A_361 : i32
        %parallel_loop3A_363 = arith.addi %parallel_loop3A_362, %parallel_loop3A_321 : i32
        %parallel_loop3A_364 = arith.index_cast %parallel_loop3A_363 : i32 to index
        %parallel_loop3A_365 = arith.constant 48 : index
        %parallel_loop3A_366 = tpu.vector_load %arg7[%parallel_loop3A_364, %parallel_loop3A_365] {strides = array<i32>} : memref<64x768xf32, #tpu.memory_space<vmem>>, vector<1x16xf32>,
        %parallel_loop3A_367 = vector.shape_cast %parallel_loop3A_366 : vector<1x16xf32> to vector<16xf32>
        %parallel_loop3A_368 = arith.index_cast %select_n3A_220 : i32 to index
        %parallel_loop3A_369 = arith.index_cast %parallel_loop3A_321 : i32 to index
        %parallel_loop3A_370 = arith.constant 48 : index
        %parallel_loop3A_371 = tpu.vector_load %arg8[%parallel_loop3A_368, %parallel_loop3A_369, %parallel_loop3A_370] {strides = array<i32>} : memref<3x32x768xf32, #tpu.memory_space<vmem>>, vector<1x1x16xf32>,
        %parallel_loop3A_372 = vector.shape_cast %parallel_loop3A_371 : vector<1x1x16xf32> to vector<16xf32>
        %parallel_loop3A_373 = vector.shape_cast %parallel_loop3A_367 : vector<16xf32> to vector<1x1x16xf32>
        tpu.vector_store %arg8[%parallel_loop3A_368, %parallel_loop3A_369, %parallel_loop3A_370], %parallel_loop3A_373 {add = true, strides = array<i32>} : memref<3x32x768xf32, #tpu.memory_space<vmem>>, vector<1x1x16xf32>,
        %parallel_loop3A_374 = arith.constant 32 : i32
        %parallel_loop3A_375 = arith.muli %sub3A_244, %parallel_loop3A_374 : i32
        %parallel_loop3A_376 = arith.addi %parallel_loop3A_375, %parallel_loop3A_321 : i32
        %parallel_loop3A_377 = arith.index_cast %parallel_loop3A_376 : i32 to index
        %parallel_loop3A_378 = arith.constant 64 : index
        %parallel_loop3A_379 = tpu.vector_load %arg7[%parallel_loop3A_377, %parallel_loop3A_378] {strides = array<i32>} : memref<64x768xf32, #tpu.memory_space<vmem>>, vector<1x16xf32>,
        %parallel_loop3A_380 = vector.shape_cast %parallel_loop3A_379 : vector<1x16xf32> to vector<16xf32>
        %parallel_loop3A_381 = arith.index_cast %select_n3A_220 : i32 to index
        %parallel_loop3A_382 = arith.index_cast %parallel_loop3A_321 : i32 to index
        %parallel_loop3A_383 = arith.constant 64 : index
        %parallel_loop3A_384 = tpu.vector_load %arg8[%parallel_loop3A_381, %parallel_loop3A_382, %parallel_loop3A_383] {strides = array<i32>} : memref<3x32x768xf32, #tpu.memory_space<vmem>>, vector<1x1x16xf32>,
        %parallel_loop3A_385 = vector.shape_cast %parallel_loop3A_384 : vector<1x1x16xf32> to vector<16xf32>
        %parallel_loop3A_386 = vector.shape_cast %parallel_loop3A_380 : vector<16xf32> to vector<1x1x16xf32>
        tpu.vector_store %arg8[%parallel_loop3A_381, %parallel_loop3A_382, %parallel_loop3A_383], %parallel_loop3A_386 {add = true, strides = array<i32>} : memref<3x32x768xf32, #tpu.memory_space<vmem>>, vector<1x1x16xf32>,
        %parallel_loop3A_387 = arith.constant 32 : i32
        %parallel_loop3A_388 = arith.muli %sub3A_244, %parallel_loop3A_387 : i32
        %parallel_loop3A_389 = arith.addi %parallel_loop3A_388, %parallel_loop3A_321 : i32
        %parallel_loop3A_390 = arith.index_cast %parallel_loop3A_389 : i32 to index
        %parallel_loop3A_391 = arith.constant 80 : index
        %parallel_loop3A_392 = tpu.vector_load %arg7[%parallel_loop3A_390, %parallel_loop3A_391] {strides = array<i32>} : memref<64x768xf32, #tpu.memory_space<vmem>>, vector<1x16xf32>,
        %parallel_loop3A_393 = vector.shape_cast %parallel_loop3A_392 : vector<1x16xf32> to vector<16xf32>
        %parallel_loop3A_394 = arith.index_cast %select_n3A_220 : i32 to index
        %parallel_loop3A_395 = arith.index_cast %parallel_loop3A_321 : i32 to index
        %parallel_loop3A_396 = arith.constant 80 : index
        %parallel_loop3A_397 = tpu.vector_load %arg8[%parallel_loop3A_394, %parallel_loop3A_395, %parallel_loop3A_396] {strides = array<i32>} : memref<3x32x768xf32, #tpu.memory_space<vmem>>, vector<1x1x16xf32>,
        %parallel_loop3A_398 = vector.shape_cast %parallel_loop3A_397 : vector<1x1x16xf32> to vector<16xf32>
        %parallel_loop3A_399 = vector.shape_cast %parallel_loop3A_393 : vector<16xf32> to vector<1x1x16xf32>
        tpu.vector_store %arg8[%parallel_loop3A_394, %parallel_loop3A_395, %parallel_loop3A_396], %parallel_loop3A_399 {add = true, strides = array<i32>} : memref<3x32x768xf32, #tpu.memory_space<vmem>>, vector<1x1x16xf32>,
        %parallel_loop3A_400 = arith.constant 32 : i32
        %parallel_loop3A_401 = arith.muli %sub3A_244, %parallel_loop3A_400 : i32
        %parallel_loop3A_402 = arith.addi %parallel_loop3A_401, %parallel_loop3A_321 : i32
        %parallel_loop3A_403 = arith.index_cast %parallel_loop3A_402 : i32 to index
        %parallel_loop3A_404 = arith.constant 96 : index
        %parallel_loop3A_405 = tpu.vector_load %arg7[%parallel_loop3A_403, %parallel_loop3A_404] {strides = array<i32>} : memref<64x768xf32, #tpu.memory_space<vmem>>, vector<1x16xf32>,
        %parallel_loop3A_406 = vector.shape_cast %parallel_loop3A_405 : vector<1x16xf32> to vector<16xf32>
        %parallel_loop3A_407 = arith.index_cast %select_n3A_220 : i32 to index
        %parallel_loop3A_408 = arith.index_cast %parallel_loop3A_321 : i32 to index
        %parallel_loop3A_409 = arith.constant 96 : index
        %parallel_loop3A_410 = tpu.vector_load %arg8[%parallel_loop3A_407, %parallel_loop3A_408, %parallel_loop3A_409] {strides = array<i32>} : memref<3x32x768xf32, #tpu.memory_space<vmem>>, vector<1x1x16xf32>,
        %parallel_loop3A_411 = vector.shape_cast %parallel_loop3A_410 : vector<1x1x16xf32> to vector<16xf32>
        %parallel_loop3A_412 = vector.shape_cast %parallel_loop3A_406 : vector<16xf32> to vector<1x1x16xf32>
        tpu.vector_store %arg8[%parallel_loop3A_407, %parallel_loop3A_408, %parallel_loop3A_409], %parallel_loop3A_412 {add = true, strides = array<i32>} : memref<3x32x768xf32, #tpu.memory_space<vmem>>, vector<1x1x16xf32>,
        %parallel_loop3A_413 = arith.constant 32 : i32
        %parallel_loop3A_414 = arith.muli %sub3A_244, %parallel_loop3A_413 : i32
        %parallel_loop3A_415 = arith.addi %parallel_loop3A_414, %parallel_loop3A_321 : i32
        %parallel_loop3A_416 = arith.index_cast %parallel_loop3A_415 : i32 to index
        %parallel_loop3A_417 = arith.constant 112 : index
        %parallel_loop3A_418 = tpu.vector_load %arg7[%parallel_loop3A_416, %parallel_loop3A_417] {strides = array<i32>} : memref<64x768xf32, #tpu.memory_space<vmem>>, vector<1x16xf32>,
        %parallel_loop3A_419 = vector.shape_cast %parallel_loop3A_418 : vector<1x16xf32> to vector<16xf32>
        %parallel_loop3A_420 = arith.index_cast %select_n3A_220 : i32 to index
        %parallel_loop3A_421 = arith.index_cast %parallel_loop3A_321 : i32 to index
        %parallel_loop3A_422 = arith.constant 112 : index
        %parallel_loop3A_423 = tpu.vector_load %arg8[%parallel_loop3A_420, %parallel_loop3A_421, %parallel_loop3A_422] {strides = array<i32>} : memref<3x32x768xf32, #tpu.memory_space<vmem>>, vector<1x1x16xf32>,
        %parallel_loop3A_424 = vector.shape_cast %parallel_loop3A_423 : vector<1x1x16xf32> to vector<16xf32>
        %parallel_loop3A_425 = vector.shape_cast %parallel_loop3A_419 : vector<16xf32> to vector<1x1x16xf32>
        tpu.vector_store %arg8[%parallel_loop3A_420, %parallel_loop3A_421, %parallel_loop3A_422], %parallel_loop3A_425 {add = true, strides = array<i32>} : memref<3x32x768xf32, #tpu.memory_space<vmem>>, vector<1x1x16xf32>,
        %parallel_loop3A_426 = arith.constant 32 : i32
        %parallel_loop3A_427 = arith.muli %sub3A_244, %parallel_loop3A_426 : i32
        %parallel_loop3A_428 = arith.addi %parallel_loop3A_427, %parallel_loop3A_321 : i32
        %parallel_loop3A_429 = arith.index_cast %parallel_loop3A_428 : i32 to index
        %parallel_loop3A_430 = arith.constant 128 : index
        %parallel_loop3A_431 = tpu.vector_load %arg7[%parallel_loop3A_429, %parallel_loop3A_430] {strides = array<i32>} : memref<64x768xf32, #tpu.memory_space<vmem>>, vector<1x16xf32>,
        %parallel_loop3A_432 = vector.shape_cast %parallel_loop3A_431 : vector<1x16xf32> to vector<16xf32>
        %parallel_loop3A_433 = arith.index_cast %select_n3A_220 : i32 to index
        %parallel_loop3A_434 = arith.index_cast %parallel_loop3A_321 : i32 to index
        %parallel_loop3A_435 = arith.constant 128 : index
        %parallel_loop3A_436 = tpu.vector_load %arg8[%parallel_loop3A_433, %parallel_loop3A_434, %parallel_loop3A_435] {strides = array<i32>} : memref<3x32x768xf32, #tpu.memory_space<vmem>>, vector<1x1x16xf32>,
        %parallel_loop3A_437 = vector.shape_cast %parallel_loop3A_436 : vector<1x1x16xf32> to vector<16xf32>
        %parallel_loop3A_438 = vector.shape_cast %parallel_loop3A_432 : vector<16xf32> to vector<1x1x16xf32>
        tpu.vector_store %arg8[%parallel_loop3A_433, %parallel_loop3A_434, %parallel_loop3A_435], %parallel_loop3A_438 {add = true, strides = array<i32>} : memref<3x32x768xf32, #tpu.memory_space<vmem>>, vector<1x1x16xf32>,
        %parallel_loop3A_439 = arith.constant 32 : i32
        %parallel_loop3A_440 = arith.muli %sub3A_244, %parallel_loop3A_439 : i32
        %parallel_loop3A_441 = arith.addi %parallel_loop3A_440, %parallel_loop3A_321 : i32
        %parallel_loop3A_442 = arith.index_cast %parallel_loop3A_441 : i32 to index
        %parallel_loop3A_443 = arith.constant 144 : index
        %parallel_loop3A_444 = tpu.vector_load %arg7[%parallel_loop3A_442, %parallel_loop3A_443] {strides = array<i32>} : memref<64x768xf32, #tpu.memory_space<vmem>>, vector<1x16xf32>,
        %parallel_loop3A_445 = vector.shape_cast %parallel_loop3A_444 : vector<1x16xf32> to vector<16xf32>
        %parallel_loop3A_446 = arith.index_cast %select_n3A_220 : i32 to index
        %parallel_loop3A_447 = arith.index_cast %parallel_loop3A_321 : i32 to index
        %parallel_loop3A_448 = arith.constant 144 : index
        %parallel_loop3A_449 = tpu.vector_load %arg8[%parallel_loop3A_446, %parallel_loop3A_447, %parallel_loop3A_448] {strides = array<i32>} : memref<3x32x768xf32, #tpu.memory_space<vmem>>, vector<1x1x16xf32>,
        %parallel_loop3A_450 = vector.shape_cast %parallel_loop3A_449 : vector<1x1x16xf32> to vector<16xf32>
        %parallel_loop3A_451 = vector.shape_cast %parallel_loop3A_445 : vector<16xf32> to vector<1x1x16xf32>
        tpu.vector_store %arg8[%parallel_loop3A_446, %parallel_loop3A_447, %parallel_loop3A_448], %parallel_loop3A_451 {add = true, strides = array<i32>} : memref<3x32x768xf32, #tpu.memory_space<vmem>>, vector<1x1x16xf32>,
        %parallel_loop3A_452 = arith.constant 32 : i32
        %parallel_loop3A_453 = arith.muli %sub3A_244, %parallel_loop3A_452 : i32
        %parallel_loop3A_454 = arith.addi %parallel_loop3A_453, %parallel_loop3A_321 : i32
        %parallel_loop3A_455 = arith.index_cast %parallel_loop3A_454 : i32 to index
        %parallel_loop3A_456 = arith.constant 160 : index
        %parallel_loop3A_457 = tpu.vector_load %arg7[%parallel_loop3A_455, %parallel_loop3A_456] {strides = array<i32>} : memref<64x768xf32, #tpu.memory_space<vmem>>, vector<1x16xf32>,
        %parallel_loop3A_458 = vector.shape_cast %parallel_loop3A_457 : vector<1x16xf32> to vector<16xf32>
        %parallel_loop3A_459 = arith.index_cast %select_n3A_220 : i32 to index
        %parallel_loop3A_460 = arith.index_cast %parallel_loop3A_321 : i32 to index
        %parallel_loop3A_461 = arith.constant 160 : index
        %parallel_loop3A_462 = tpu.vector_load %arg8[%parallel_loop3A_459, %parallel_loop3A_460, %parallel_loop3A_461] {strides = array<i32>} : memref<3x32x768xf32, #tpu.memory_space<vmem>>, vector<1x1x16xf32>,
        %parallel_loop3A_463 = vector.shape_cast %parallel_loop3A_462 : vector<1x1x16xf32> to vector<16xf32>
        %parallel_loop3A_464 = vector.shape_cast %parallel_loop3A_458 : vector<16xf32> to vector<1x1x16xf32>
        tpu.vector_store %arg8[%parallel_loop3A_459, %parallel_loop3A_460, %parallel_loop3A_461], %parallel_loop3A_464 {add = true, strides = array<i32>} : memref<3x32x768xf32, #tpu.memory_space<vmem>>, vector<1x1x16xf32>,
        %parallel_loop3A_465 = arith.constant 32 : i32
        %parallel_loop3A_466 = arith.muli %sub3A_244, %parallel_loop3A_465 : i32
        %parallel_loop3A_467 = arith.addi %parallel_loop3A_466, %parallel_loop3A_321 : i32
        %parallel_loop3A_468 = arith.index_cast %parallel_loop3A_467 : i32 to index
        %parallel_loop3A_469 = arith.constant 176 : index
        %parallel_loop3A_470 = tpu.vector_load %arg7[%parallel_loop3A_468, %parallel_loop3A_469] {strides = array<i32>} : memref<64x768xf32, #tpu.memory_space<vmem>>, vector<1x16xf32>,
        %parallel_loop3A_471 = vector.shape_cast %parallel_loop3A_470 : vector<1x16xf32> to vector<16xf32>
        %parallel_loop3A_472 = arith.index_cast %select_n3A_220 : i32 to index
        %parallel_loop3A_473 = arith.index_cast %parallel_loop3A_321 : i32 to index
        %parallel_loop3A_474 = arith.constant 176 : index
        %parallel_loop3A_475 = tpu.vector_load %arg8[%parallel_loop3A_472, %parallel_loop3A_473, %parallel_loop3A_474] {strides = array<i32>} : memref<3x32x768xf32, #tpu.memory_space<vmem>>, vector<1x1x16xf32>,
        %parallel_loop3A_476 = vector.shape_cast %parallel_loop3A_475 : vector<1x1x16xf32> to vector<16xf32>
        %parallel_loop3A_477 = vector.shape_cast %parallel_loop3A_471 : vector<16xf32> to vector<1x1x16xf32>
        tpu.vector_store %arg8[%parallel_loop3A_472, %parallel_loop3A_473, %parallel_loop3A_474], %parallel_loop3A_477 {add = true, strides = array<i32>} : memref<3x32x768xf32, #tpu.memory_space<vmem>>, vector<1x1x16xf32>,
        %parallel_loop3A_478 = arith.constant 32 : i32
        %parallel_loop3A_479 = arith.muli %sub3A_244, %parallel_loop3A_478 : i32
        %parallel_loop3A_480 = arith.addi %parallel_loop3A_479, %parallel_loop3A_321 : i32
        %parallel_loop3A_481 = arith.index_cast %parallel_loop3A_480 : i32 to index
        %parallel_loop3A_482 = arith.constant 192 : index
        %parallel_loop3A_483 = tpu.vector_load %arg7[%parallel_loop3A_481, %parallel_loop3A_482] {strides = array<i32>} : memref<64x768xf32, #tpu.memory_space<vmem>>, vector<1x16xf32>,
        %parallel_loop3A_484 = vector.shape_cast %parallel_loop3A_483 : vector<1x16xf32> to vector<16xf32>
        %parallel_loop3A_485 = arith.index_cast %select_n3A_220 : i32 to index
        %parallel_loop3A_486 = arith.index_cast %parallel_loop3A_321 : i32 to index
        %parallel_loop3A_487 = arith.constant 192 : index
        %parallel_loop3A_488 = tpu.vector_load %arg8[%parallel_loop3A_485, %parallel_loop3A_486, %parallel_loop3A_487] {strides = array<i32>} : memref<3x32x768xf32, #tpu.memory_space<vmem>>, vector<1x1x16xf32>,
        %parallel_loop3A_489 = vector.shape_cast %parallel_loop3A_488 : vector<1x1x16xf32> to vector<16xf32>
        %parallel_loop3A_490 = vector.shape_cast %parallel_loop3A_484 : vector<16xf32> to vector<1x1x16xf32>
        tpu.vector_store %arg8[%parallel_loop3A_485, %parallel_loop3A_486, %parallel_loop3A_487], %parallel_loop3A_490 {add = true, strides = array<i32>} : memref<3x32x768xf32, #tpu.memory_space<vmem>>, vector<1x1x16xf32>,
        %parallel_loop3A_491 = arith.constant 32 : i32
        %parallel_loop3A_492 = arith.muli %sub3A_244, %parallel_loop3A_491 : i32
        %parallel_loop3A_493 = arith.addi %parallel_loop3A_492, %parallel_loop3A_321 : i32
        %parallel_loop3A_494 = arith.index_cast %parallel_loop3A_493 : i32 to index
        %parallel_loop3A_495 = arith.constant 208 : index
        %parallel_loop3A_496 = tpu.vector_load %arg7[%parallel_loop3A_494, %parallel_loop3A_495] {strides = array<i32>} : memref<64x768xf32, #tpu.memory_space<vmem>>, vector<1x16xf32>,
        %parallel_loop3A_497 = vector.shape_cast %parallel_loop3A_496 : vector<1x16xf32> to vector<16xf32>
        %parallel_loop3A_498 = arith.index_cast %select_n3A_220 : i32 to index
        %parallel_loop3A_499 = arith.index_cast %parallel_loop3A_321 : i32 to index
        %parallel_loop3A_500 = arith.constant 208 : index
        %parallel_loop3A_501 = tpu.vector_load %arg8[%parallel_loop3A_498, %parallel_loop3A_499, %parallel_loop3A_500] {strides = array<i32>} : memref<3x32x768xf32, #tpu.memory_space<vmem>>, vector<1x1x16xf32>,
        %parallel_loop3A_502 = vector.shape_cast %parallel_loop3A_501 : vector<1x1x16xf32> to vector<16xf32>
        %parallel_loop3A_503 = vector.shape_cast %parallel_loop3A_497 : vector<16xf32> to vector<1x1x16xf32>
        tpu.vector_store %arg8[%parallel_loop3A_498, %parallel_loop3A_499, %parallel_loop3A_500], %parallel_loop3A_503 {add = true, strides = array<i32>} : memref<3x32x768xf32, #tpu.memory_space<vmem>>, vector<1x1x16xf32>,
        %parallel_loop3A_504 = arith.constant 32 : i32
        %parallel_loop3A_505 = arith.muli %sub3A_244, %parallel_loop3A_504 : i32
        %parallel_loop3A_506 = arith.addi %parallel_loop3A_505, %parallel_loop3A_321 : i32
        %parallel_loop3A_507 = arith.index_cast %parallel_loop3A_506 : i32 to index
        %parallel_loop3A_508 = arith.constant 224 : index
        %parallel_loop3A_509 = tpu.vector_load %arg7[%parallel_loop3A_507, %parallel_loop3A_508] {strides = array<i32>} : memref<64x768xf32, #tpu.memory_space<vmem>>, vector<1x16xf32>,
        %parallel_loop3A_510 = vector.shape_cast %parallel_loop3A_509 : vector<1x16xf32> to vector<16xf32>
        %parallel_loop3A_511 = arith.index_cast %select_n3A_220 : i32 to index
        %parallel_loop3A_512 = arith.index_cast %parallel_loop3A_321 : i32 to index
        %parallel_loop3A_513 = arith.constant 224 : index
        %parallel_loop3A_514 = tpu.vector_load %arg8[%parallel_loop3A_511, %parallel_loop3A_512, %parallel_loop3A_513] {strides = array<i32>} : memref<3x32x768xf32, #tpu.memory_space<vmem>>, vector<1x1x16xf32>,
        %parallel_loop3A_515 = vector.shape_cast %parallel_loop3A_514 : vector<1x1x16xf32> to vector<16xf32>
        %parallel_loop3A_516 = vector.shape_cast %parallel_loop3A_510 : vector<16xf32> to vector<1x1x16xf32>
        tpu.vector_store %arg8[%parallel_loop3A_511, %parallel_loop3A_512, %parallel_loop3A_513], %parallel_loop3A_516 {add = true, strides = array<i32>} : memref<3x32x768xf32, #tpu.memory_space<vmem>>, vector<1x1x16xf32>,
        %parallel_loop3A_517 = arith.constant 32 : i32
        %parallel_loop3A_518 = arith.muli %sub3A_244, %parallel_loop3A_517 : i32
        %parallel_loop3A_519 = arith.addi %parallel_loop3A_518, %parallel_loop3A_321 : i32
        %parallel_loop3A_520 = arith.index_cast %parallel_loop3A_519 : i32 to index
        %parallel_loop3A_521 = arith.constant 240 : index
        %parallel_loop3A_522 = tpu.vector_load %arg7[%parallel_loop3A_520, %parallel_loop3A_521] {strides = array<i32>} : memref<64x768xf32, #tpu.memory_space<vmem>>, vector<1x16xf32>,
        %parallel_loop3A_523 = vector.shape_cast %parallel_loop3A_522 : vector<1x16xf32> to vector<16xf32>
        %parallel_loop3A_524 = arith.index_cast %select_n3A_220 : i32 to index
        %parallel_loop3A_525 = arith.index_cast %parallel_loop3A_321 : i32 to index
        %parallel_loop3A_526 = arith.constant 240 : index
        %parallel_loop3A_527 = tpu.vector_load %arg8[%parallel_loop3A_524, %parallel_loop3A_525, %parallel_loop3A_526] {strides = array<i32>} : memref<3x32x768xf32, #tpu.memory_space<vmem>>, vector<1x1x16xf32>,
        %parallel_loop3A_528 = vector.shape_cast %parallel_loop3A_527 : vector<1x1x16xf32> to vector<16xf32>
        %parallel_loop3A_529 = vector.shape_cast %parallel_loop3A_523 : vector<16xf32> to vector<1x1x16xf32>
        tpu.vector_store %arg8[%parallel_loop3A_524, %parallel_loop3A_525, %parallel_loop3A_526], %parallel_loop3A_529 {add = true, strides = array<i32>} : memref<3x32x768xf32, #tpu.memory_space<vmem>>, vector<1x1x16xf32>,
        %parallel_loop3A_530 = arith.constant 32 : i32
        %parallel_loop3A_531 = arith.muli %sub3A_244, %parallel_loop3A_530 : i32
        %parallel_loop3A_532 = arith.addi %parallel_loop3A_531, %parallel_loop3A_321 : i32
        %parallel_loop3A_533 = arith.index_cast %parallel_loop3A_532 : i32 to index
        %parallel_loop3A_534 = arith.constant 256 : index
        %parallel_loop3A_535 = tpu.vector_load %arg7[%parallel_loop3A_533, %parallel_loop3A_534] {strides = array<i32>} : memref<64x768xf32, #tpu.memory_space<vmem>>, vector<1x16xf32>,
        %parallel_loop3A_536 = vector.shape_cast %parallel_loop3A_535 : vector<1x16xf32> to vector<16xf32>
        %parallel_loop3A_537 = arith.index_cast %select_n3A_220 : i32 to index
        %parallel_loop3A_538 = arith.index_cast %parallel_loop3A_321 : i32 to index
        %parallel_loop3A_539 = arith.constant 256 : index
        %parallel_loop3A_540 = tpu.vector_load %arg8[%parallel_loop3A_537, %parallel_loop3A_538, %parallel_loop3A_539] {strides = array<i32>} : memref<3x32x768xf32, #tpu.memory_space<vmem>>, vector<1x1x16xf32>,
        %parallel_loop3A_541 = vector.shape_cast %parallel_loop3A_540 : vector<1x1x16xf32> to vector<16xf32>
        %parallel_loop3A_542 = vector.shape_cast %parallel_loop3A_536 : vector<16xf32> to vector<1x1x16xf32>
        tpu.vector_store %arg8[%parallel_loop3A_537, %parallel_loop3A_538, %parallel_loop3A_539], %parallel_loop3A_542 {add = true, strides = array<i32>} : memref<3x32x768xf32, #tpu.memory_space<vmem>>, vector<1x1x16xf32>,
        %parallel_loop3A_543 = arith.constant 32 : i32
        %parallel_loop3A_544 = arith.muli %sub3A_244, %parallel_loop3A_543 : i32
        %parallel_loop3A_545 = arith.addi %parallel_loop3A_544, %parallel_loop3A_321 : i32
        %parallel_loop3A_546 = arith.index_cast %parallel_loop3A_545 : i32 to index
        %parallel_loop3A_547 = arith.constant 272 : index
        %parallel_loop3A_548 = tpu.vector_load %arg7[%parallel_loop3A_546, %parallel_loop3A_547] {strides = array<i32>} : memref<64x768xf32, #tpu.memory_space<vmem>>, vector<1x16xf32>,
        %parallel_loop3A_549 = vector.shape_cast %parallel_loop3A_548 : vector<1x16xf32> to vector<16xf32>
        %parallel_loop3A_550 = arith.index_cast %select_n3A_220 : i32 to index
        %parallel_loop3A_551 = arith.index_cast %parallel_loop3A_321 : i32 to index
        %parallel_loop3A_552 = arith.constant 272 : index
        %parallel_loop3A_553 = tpu.vector_load %arg8[%parallel_loop3A_550, %parallel_loop3A_551, %parallel_loop3A_552] {strides = array<i32>} : memref<3x32x768xf32, #tpu.memory_space<vmem>>, vector<1x1x16xf32>,
        %parallel_loop3A_554 = vector.shape_cast %parallel_loop3A_553 : vector<1x1x16xf32> to vector<16xf32>
        %parallel_loop3A_555 = vector.shape_cast %parallel_loop3A_549 : vector<16xf32> to vector<1x1x16xf32>
        tpu.vector_store %arg8[%parallel_loop3A_550, %parallel_loop3A_551, %parallel_loop3A_552], %parallel_loop3A_555 {add = true, strides = array<i32>} : memref<3x32x768xf32, #tpu.memory_space<vmem>>, vector<1x1x16xf32>,
        %parallel_loop3A_556 = arith.constant 32 : i32
        %parallel_loop3A_557 = arith.muli %sub3A_244, %parallel_loop3A_556 : i32
        %parallel_loop3A_558 = arith.addi %parallel_loop3A_557, %parallel_loop3A_321 : i32
        %parallel_loop3A_559 = arith.index_cast %parallel_loop3A_558 : i32 to index
        %parallel_loop3A_560 = arith.constant 288 : index
        %parallel_loop3A_561 = tpu.vector_load %arg7[%parallel_loop3A_559, %parallel_loop3A_560] {strides = array<i32>} : memref<64x768xf32, #tpu.memory_space<vmem>>, vector<1x16xf32>,
        %parallel_loop3A_562 = vector.shape_cast %parallel_loop3A_561 : vector<1x16xf32> to vector<16xf32>
        %parallel_loop3A_563 = arith.index_cast %select_n3A_220 : i32 to index
        %parallel_loop3A_564 = arith.index_cast %parallel_loop3A_321 : i32 to index
        %parallel_loop3A_565 = arith.constant 288 : index
        %parallel_loop3A_566 = tpu.vector_load %arg8[%parallel_loop3A_563, %parallel_loop3A_564, %parallel_loop3A_565] {strides = array<i32>} : memref<3x32x768xf32, #tpu.memory_space<vmem>>, vector<1x1x16xf32>,
        %parallel_loop3A_567 = vector.shape_cast %parallel_loop3A_566 : vector<1x1x16xf32> to vector<16xf32>
        %parallel_loop3A_568 = vector.shape_cast %parallel_loop3A_562 : vector<16xf32> to vector<1x1x16xf32>
        tpu.vector_store %arg8[%parallel_loop3A_563, %parallel_loop3A_564, %parallel_loop3A_565], %parallel_loop3A_568 {add = true, strides = array<i32>} : memref<3x32x768xf32, #tpu.memory_space<vmem>>, vector<1x1x16xf32>,
        %parallel_loop3A_569 = arith.constant 32 : i32
        %parallel_loop3A_570 = arith.muli %sub3A_244, %parallel_loop3A_569 : i32
        %parallel_loop3A_571 = arith.addi %parallel_loop3A_570, %parallel_loop3A_321 : i32
        %parallel_loop3A_572 = arith.index_cast %parallel_loop3A_571 : i32 to index
        %parallel_loop3A_573 = arith.constant 304 : index
        %parallel_loop3A_574 = tpu.vector_load %arg7[%parallel_loop3A_572, %parallel_loop3A_573] {strides = array<i32>} : memref<64x768xf32, #tpu.memory_space<vmem>>, vector<1x16xf32>,
        %parallel_loop3A_575 = vector.shape_cast %parallel_loop3A_574 : vector<1x16xf32> to vector<16xf32>
        %parallel_loop3A_576 = arith.index_cast %select_n3A_220 : i32 to index
        %parallel_loop3A_577 = arith.index_cast %parallel_loop3A_321 : i32 to index
        %parallel_loop3A_578 = arith.constant 304 : index
        %parallel_loop3A_579 = tpu.vector_load %arg8[%parallel_loop3A_576, %parallel_loop3A_577, %parallel_loop3A_578] {strides = array<i32>} : memref<3x32x768xf32, #tpu.memory_space<vmem>>, vector<1x1x16xf32>,
        %parallel_loop3A_580 = vector.shape_cast %parallel_loop3A_579 : vector<1x1x16xf32> to vector<16xf32>
        %parallel_loop3A_581 = vector.shape_cast %parallel_loop3A_575 : vector<16xf32> to vector<1x1x16xf32>
        tpu.vector_store %arg8[%parallel_loop3A_576, %parallel_loop3A_577, %parallel_loop3A_578], %parallel_loop3A_581 {add = true, strides = array<i32>} : memref<3x32x768xf32, #tpu.memory_space<vmem>>, vector<1x1x16xf32>,
        %parallel_loop3A_582 = arith.constant 32 : i32
        %parallel_loop3A_583 = arith.muli %sub3A_244, %parallel_loop3A_582 : i32
        %parallel_loop3A_584 = arith.addi %parallel_loop3A_583, %parallel_loop3A_321 : i32
        %parallel_loop3A_585 = arith.index_cast %parallel_loop3A_584 : i32 to index
        %parallel_loop3A_586 = arith.constant 320 : index
        %parallel_loop3A_587 = tpu.vector_load %arg7[%parallel_loop3A_585, %parallel_loop3A_586] {strides = array<i32>} : memref<64x768xf32, #tpu.memory_space<vmem>>, vector<1x16xf32>,
        %parallel_loop3A_588 = vector.shape_cast %parallel_loop3A_587 : vector<1x16xf32> to vector<16xf32>
        %parallel_loop3A_589 = arith.index_cast %select_n3A_220 : i32 to index
        %parallel_loop3A_590 = arith.index_cast %parallel_loop3A_321 : i32 to index
        %parallel_loop3A_591 = arith.constant 320 : index
        %parallel_loop3A_592 = tpu.vector_load %arg8[%parallel_loop3A_589, %parallel_loop3A_590, %parallel_loop3A_591] {strides = array<i32>} : memref<3x32x768xf32, #tpu.memory_space<vmem>>, vector<1x1x16xf32>,
        %parallel_loop3A_593 = vector.shape_cast %parallel_loop3A_592 : vector<1x1x16xf32> to vector<16xf32>
        %parallel_loop3A_594 = vector.shape_cast %parallel_loop3A_588 : vector<16xf32> to vector<1x1x16xf32>
        tpu.vector_store %arg8[%parallel_loop3A_589, %parallel_loop3A_590, %parallel_loop3A_591], %parallel_loop3A_594 {add = true, strides = array<i32>} : memref<3x32x768xf32, #tpu.memory_space<vmem>>, vector<1x1x16xf32>,
        %parallel_loop3A_595 = arith.constant 32 : i32
        %parallel_loop3A_596 = arith.muli %sub3A_244, %parallel_loop3A_595 : i32
        %parallel_loop3A_597 = arith.addi %parallel_loop3A_596, %parallel_loop3A_321 : i32
        %parallel_loop3A_598 = arith.index_cast %parallel_loop3A_597 : i32 to index
        %parallel_loop3A_599 = arith.constant 336 : index
        %parallel_loop3A_600 = tpu.vector_load %arg7[%parallel_loop3A_598, %parallel_loop3A_599] {strides = array<i32>} : memref<64x768xf32, #tpu.memory_space<vmem>>, vector<1x16xf32>,
        %parallel_loop3A_601 = vector.shape_cast %parallel_loop3A_600 : vector<1x16xf32> to vector<16xf32>
        %parallel_loop3A_602 = arith.index_cast %select_n3A_220 : i32 to index
        %parallel_loop3A_603 = arith.index_cast %parallel_loop3A_321 : i32 to index
        %parallel_loop3A_604 = arith.constant 336 : index
        %parallel_loop3A_605 = tpu.vector_load %arg8[%parallel_loop3A_602, %parallel_loop3A_603, %parallel_loop3A_604] {strides = array<i32>} : memref<3x32x768xf32, #tpu.memory_space<vmem>>, vector<1x1x16xf32>,
        %parallel_loop3A_606 = vector.shape_cast %parallel_loop3A_605 : vector<1x1x16xf32> to vector<16xf32>
        %parallel_loop3A_607 = vector.shape_cast %parallel_loop3A_601 : vector<16xf32> to vector<1x1x16xf32>
        tpu.vector_store %arg8[%parallel_loop3A_602, %parallel_loop3A_603, %parallel_loop3A_604], %parallel_loop3A_607 {add = true, strides = array<i32>} : memref<3x32x768xf32, #tpu.memory_space<vmem>>, vector<1x1x16xf32>,
        %parallel_loop3A_608 = arith.constant 32 : i32
        %parallel_loop3A_609 = arith.muli %sub3A_244, %parallel_loop3A_608 : i32
        %parallel_loop3A_610 = arith.addi %parallel_loop3A_609, %parallel_loop3A_321 : i32
        %parallel_loop3A_611 = arith.index_cast %parallel_loop3A_610 : i32 to index
        %parallel_loop3A_612 = arith.constant 352 : index
        %parallel_loop3A_613 = tpu.vector_load %arg7[%parallel_loop3A_611, %parallel_loop3A_612] {strides = array<i32>} : memref<64x768xf32, #tpu.memory_space<vmem>>, vector<1x16xf32>,
        %parallel_loop3A_614 = vector.shape_cast %parallel_loop3A_613 : vector<1x16xf32> to vector<16xf32>
        %parallel_loop3A_615 = arith.index_cast %select_n3A_220 : i32 to index
        %parallel_loop3A_616 = arith.index_cast %parallel_loop3A_321 : i32 to index
        %parallel_loop3A_617 = arith.constant 352 : index
        %parallel_loop3A_618 = tpu.vector_load %arg8[%parallel_loop3A_615, %parallel_loop3A_616, %parallel_loop3A_617] {strides = array<i32>} : memref<3x32x768xf32, #tpu.memory_space<vmem>>, vector<1x1x16xf32>,
        %parallel_loop3A_619 = vector.shape_cast %parallel_loop3A_618 : vector<1x1x16xf32> to vector<16xf32>
        %parallel_loop3A_620 = vector.shape_cast %parallel_loop3A_614 : vector<16xf32> to vector<1x1x16xf32>
        tpu.vector_store %arg8[%parallel_loop3A_615, %parallel_loop3A_616, %parallel_loop3A_617], %parallel_loop3A_620 {add = true, strides = array<i32>} : memref<3x32x768xf32, #tpu.memory_space<vmem>>, vector<1x1x16xf32>,
        %parallel_loop3A_621 = arith.constant 32 : i32
        %parallel_loop3A_622 = arith.muli %sub3A_244, %parallel_loop3A_621 : i32
        %parallel_loop3A_623 = arith.addi %parallel_loop3A_622, %parallel_loop3A_321 : i32
        %parallel_loop3A_624 = arith.index_cast %parallel_loop3A_623 : i32 to index
        %parallel_loop3A_625 = arith.constant 368 : index
        %parallel_loop3A_626 = tpu.vector_load %arg7[%parallel_loop3A_624, %parallel_loop3A_625] {strides = array<i32>} : memref<64x768xf32, #tpu.memory_space<vmem>>, vector<1x16xf32>,
        %parallel_loop3A_627 = vector.shape_cast %parallel_loop3A_626 : vector<1x16xf32> to vector<16xf32>
        %parallel_loop3A_628 = arith.index_cast %select_n3A_220 : i32 to index
        %parallel_loop3A_629 = arith.index_cast %parallel_loop3A_321 : i32 to index
        %parallel_loop3A_630 = arith.constant 368 : index
        %parallel_loop3A_631 = tpu.vector_load %arg8[%parallel_loop3A_628, %parallel_loop3A_629, %parallel_loop3A_630] {strides = array<i32>} : memref<3x32x768xf32, #tpu.memory_space<vmem>>, vector<1x1x16xf32>,
        %parallel_loop3A_632 = vector.shape_cast %parallel_loop3A_631 : vector<1x1x16xf32> to vector<16xf32>
        %parallel_loop3A_633 = vector.shape_cast %parallel_loop3A_627 : vector<16xf32> to vector<1x1x16xf32>
        tpu.vector_store %arg8[%parallel_loop3A_628, %parallel_loop3A_629, %parallel_loop3A_630], %parallel_loop3A_633 {add = true, strides = array<i32>} : memref<3x32x768xf32, #tpu.memory_space<vmem>>, vector<1x1x16xf32>,
        %parallel_loop3A_634 = arith.constant 32 : i32
        %parallel_loop3A_635 = arith.muli %sub3A_244, %parallel_loop3A_634 : i32
        %parallel_loop3A_636 = arith.addi %parallel_loop3A_635, %parallel_loop3A_321 : i32
        %parallel_loop3A_637 = arith.index_cast %parallel_loop3A_636 : i32 to index
        %parallel_loop3A_638 = arith.constant 384 : index
        %parallel_loop3A_639 = tpu.vector_load %arg7[%parallel_loop3A_637, %parallel_loop3A_638] {strides = array<i32>} : memref<64x768xf32, #tpu.memory_space<vmem>>, vector<1x16xf32>,
        %parallel_loop3A_640 = vector.shape_cast %parallel_loop3A_639 : vector<1x16xf32> to vector<16xf32>
        %parallel_loop3A_641 = arith.index_cast %select_n3A_220 : i32 to index
        %parallel_loop3A_642 = arith.index_cast %parallel_loop3A_321 : i32 to index
        %parallel_loop3A_643 = arith.constant 384 : index
        %parallel_loop3A_644 = tpu.vector_load %arg8[%parallel_loop3A_641, %parallel_loop3A_642, %parallel_loop3A_643] {strides = array<i32>} : memref<3x32x768xf32, #tpu.memory_space<vmem>>, vector<1x1x16xf32>,
        %parallel_loop3A_645 = vector.shape_cast %parallel_loop3A_644 : vector<1x1x16xf32> to vector<16xf32>
        %parallel_loop3A_646 = vector.shape_cast %parallel_loop3A_640 : vector<16xf32> to vector<1x1x16xf32>
        tpu.vector_store %arg8[%parallel_loop3A_641, %parallel_loop3A_642, %parallel_loop3A_643], %parallel_loop3A_646 {add = true, strides = array<i32>} : memref<3x32x768xf32, #tpu.memory_space<vmem>>, vector<1x1x16xf32>,
        %parallel_loop3A_647 = arith.constant 32 : i32
        %parallel_loop3A_648 = arith.muli %sub3A_244, %parallel_loop3A_647 : i32
        %parallel_loop3A_649 = arith.addi %parallel_loop3A_648, %parallel_loop3A_321 : i32
        %parallel_loop3A_650 = arith.index_cast %parallel_loop3A_649 : i32 to index
        %parallel_loop3A_651 = arith.constant 400 : index
        %parallel_loop3A_652 = tpu.vector_load %arg7[%parallel_loop3A_650, %parallel_loop3A_651] {strides = array<i32>} : memref<64x768xf32, #tpu.memory_space<vmem>>, vector<1x16xf32>,
        %parallel_loop3A_653 = vector.shape_cast %parallel_loop3A_652 : vector<1x16xf32> to vector<16xf32>
        %parallel_loop3A_654 = arith.index_cast %select_n3A_220 : i32 to index
        %parallel_loop3A_655 = arith.index_cast %parallel_loop3A_321 : i32 to index
        %parallel_loop3A_656 = arith.constant 400 : index
        %parallel_loop3A_657 = tpu.vector_load %arg8[%parallel_loop3A_654, %parallel_loop3A_655, %parallel_loop3A_656] {strides = array<i32>} : memref<3x32x768xf32, #tpu.memory_space<vmem>>, vector<1x1x16xf32>,
        %parallel_loop3A_658 = vector.shape_cast %parallel_loop3A_657 : vector<1x1x16xf32> to vector<16xf32>
        %parallel_loop3A_659 = vector.shape_cast %parallel_loop3A_653 : vector<16xf32> to vector<1x1x16xf32>
        tpu.vector_store %arg8[%parallel_loop3A_654, %parallel_loop3A_655, %parallel_loop3A_656], %parallel_loop3A_659 {add = true, strides = array<i32>} : memref<3x32x768xf32, #tpu.memory_space<vmem>>, vector<1x1x16xf32>,
        %parallel_loop3A_660 = arith.constant 32 : i32
        %parallel_loop3A_661 = arith.muli %sub3A_244, %parallel_loop3A_660 : i32
        %parallel_loop3A_662 = arith.addi %parallel_loop3A_661, %parallel_loop3A_321 : i32
        %parallel_loop3A_663 = arith.index_cast %parallel_loop3A_662 : i32 to index
        %parallel_loop3A_664 = arith.constant 416 : index
        %parallel_loop3A_665 = tpu.vector_load %arg7[%parallel_loop3A_663, %parallel_loop3A_664] {strides = array<i32>} : memref<64x768xf32, #tpu.memory_space<vmem>>, vector<1x16xf32>,
        %parallel_loop3A_666 = vector.shape_cast %parallel_loop3A_665 : vector<1x16xf32> to vector<16xf32>
        %parallel_loop3A_667 = arith.index_cast %select_n3A_220 : i32 to index
        %parallel_loop3A_668 = arith.index_cast %parallel_loop3A_321 : i32 to index
        %parallel_loop3A_669 = arith.constant 416 : index
        %parallel_loop3A_670 = tpu.vector_load %arg8[%parallel_loop3A_667, %parallel_loop3A_668, %parallel_loop3A_669] {strides = array<i32>} : memref<3x32x768xf32, #tpu.memory_space<vmem>>, vector<1x1x16xf32>,
        %parallel_loop3A_671 = vector.shape_cast %parallel_loop3A_670 : vector<1x1x16xf32> to vector<16xf32>
        %parallel_loop3A_672 = vector.shape_cast %parallel_loop3A_666 : vector<16xf32> to vector<1x1x16xf32>
        tpu.vector_store %arg8[%parallel_loop3A_667, %parallel_loop3A_668, %parallel_loop3A_669], %parallel_loop3A_672 {add = true, strides = array<i32>} : memref<3x32x768xf32, #tpu.memory_space<vmem>>, vector<1x1x16xf32>,
        %parallel_loop3A_673 = arith.constant 32 : i32
        %parallel_loop3A_674 = arith.muli %sub3A_244, %parallel_loop3A_673 : i32
        %parallel_loop3A_675 = arith.addi %parallel_loop3A_674, %parallel_loop3A_321 : i32
        %parallel_loop3A_676 = arith.index_cast %parallel_loop3A_675 : i32 to index
        %parallel_loop3A_677 = arith.constant 432 : index
        %parallel_loop3A_678 = tpu.vector_load %arg7[%parallel_loop3A_676, %parallel_loop3A_677] {strides = array<i32>} : memref<64x768xf32, #tpu.memory_space<vmem>>, vector<1x16xf32>,
        %parallel_loop3A_679 = vector.shape_cast %parallel_loop3A_678 : vector<1x16xf32> to vector<16xf32>
        %parallel_loop3A_680 = arith.index_cast %select_n3A_220 : i32 to index
        %parallel_loop3A_681 = arith.index_cast %parallel_loop3A_321 : i32 to index
        %parallel_loop3A_682 = arith.constant 432 : index
        %parallel_loop3A_683 = tpu.vector_load %arg8[%parallel_loop3A_680, %parallel_loop3A_681, %parallel_loop3A_682] {strides = array<i32>} : memref<3x32x768xf32, #tpu.memory_space<vmem>>, vector<1x1x16xf32>,
        %parallel_loop3A_684 = vector.shape_cast %parallel_loop3A_683 : vector<1x1x16xf32> to vector<16xf32>
        %parallel_loop3A_685 = vector.shape_cast %parallel_loop3A_679 : vector<16xf32> to vector<1x1x16xf32>
        tpu.vector_store %arg8[%parallel_loop3A_680, %parallel_loop3A_681, %parallel_loop3A_682], %parallel_loop3A_685 {add = true, strides = array<i32>} : memref<3x32x768xf32, #tpu.memory_space<vmem>>, vector<1x1x16xf32>,
        %parallel_loop3A_686 = arith.constant 32 : i32
        %parallel_loop3A_687 = arith.muli %sub3A_244, %parallel_loop3A_686 : i32
        %parallel_loop3A_688 = arith.addi %parallel_loop3A_687, %parallel_loop3A_321 : i32
        %parallel_loop3A_689 = arith.index_cast %parallel_loop3A_688 : i32 to index
        %parallel_loop3A_690 = arith.constant 448 : index
        %parallel_loop3A_691 = tpu.vector_load %arg7[%parallel_loop3A_689, %parallel_loop3A_690] {strides = array<i32>} : memref<64x768xf32, #tpu.memory_space<vmem>>, vector<1x16xf32>,
        %parallel_loop3A_692 = vector.shape_cast %parallel_loop3A_691 : vector<1x16xf32> to vector<16xf32>
        %parallel_loop3A_693 = arith.index_cast %select_n3A_220 : i32 to index
        %parallel_loop3A_694 = arith.index_cast %parallel_loop3A_321 : i32 to index
        %parallel_loop3A_695 = arith.constant 448 : index
        %parallel_loop3A_696 = tpu.vector_load %arg8[%parallel_loop3A_693, %parallel_loop3A_694, %parallel_loop3A_695] {strides = array<i32>} : memref<3x32x768xf32, #tpu.memory_space<vmem>>, vector<1x1x16xf32>,
        %parallel_loop3A_697 = vector.shape_cast %parallel_loop3A_696 : vector<1x1x16xf32> to vector<16xf32>
        %parallel_loop3A_698 = vector.shape_cast %parallel_loop3A_692 : vector<16xf32> to vector<1x1x16xf32>
        tpu.vector_store %arg8[%parallel_loop3A_693, %parallel_loop3A_694, %parallel_loop3A_695], %parallel_loop3A_698 {add = true, strides = array<i32>} : memref<3x32x768xf32, #tpu.memory_space<vmem>>, vector<1x1x16xf32>,
        %parallel_loop3A_699 = arith.constant 32 : i32
        %parallel_loop3A_700 = arith.muli %sub3A_244, %parallel_loop3A_699 : i32
        %parallel_loop3A_701 = arith.addi %parallel_loop3A_700, %parallel_loop3A_321 : i32
        %parallel_loop3A_702 = arith.index_cast %parallel_loop3A_701 : i32 to index
        %parallel_loop3A_703 = arith.constant 464 : index
        %parallel_loop3A_704 = tpu.vector_load %arg7[%parallel_loop3A_702, %parallel_loop3A_703] {strides = array<i32>} : memref<64x768xf32, #tpu.memory_space<vmem>>, vector<1x16xf32>,
        %parallel_loop3A_705 = vector.shape_cast %parallel_loop3A_704 : vector<1x16xf32> to vector<16xf32>
        %parallel_loop3A_706 = arith.index_cast %select_n3A_220 : i32 to index
        %parallel_loop3A_707 = arith.index_cast %parallel_loop3A_321 : i32 to index
        %parallel_loop3A_708 = arith.constant 464 : index
        %parallel_loop3A_709 = tpu.vector_load %arg8[%parallel_loop3A_706, %parallel_loop3A_707, %parallel_loop3A_708] {strides = array<i32>} : memref<3x32x768xf32, #tpu.memory_space<vmem>>, vector<1x1x16xf32>,
        %parallel_loop3A_710 = vector.shape_cast %parallel_loop3A_709 : vector<1x1x16xf32> to vector<16xf32>
        %parallel_loop3A_711 = vector.shape_cast %parallel_loop3A_705 : vector<16xf32> to vector<1x1x16xf32>
        tpu.vector_store %arg8[%parallel_loop3A_706, %parallel_loop3A_707, %parallel_loop3A_708], %parallel_loop3A_711 {add = true, strides = array<i32>} : memref<3x32x768xf32, #tpu.memory_space<vmem>>, vector<1x1x16xf32>,
        %parallel_loop3A_712 = arith.constant 32 : i32
        %parallel_loop3A_713 = arith.muli %sub3A_244, %parallel_loop3A_712 : i32
        %parallel_loop3A_714 = arith.addi %parallel_loop3A_713, %parallel_loop3A_321 : i32
        %parallel_loop3A_715 = arith.index_cast %parallel_loop3A_714 : i32 to index
        %parallel_loop3A_716 = arith.constant 480 : index
        %parallel_loop3A_717 = tpu.vector_load %arg7[%parallel_loop3A_715, %parallel_loop3A_716] {strides = array<i32>} : memref<64x768xf32, #tpu.memory_space<vmem>>, vector<1x16xf32>,
        %parallel_loop3A_718 = vector.shape_cast %parallel_loop3A_717 : vector<1x16xf32> to vector<16xf32>
        %parallel_loop3A_719 = arith.index_cast %select_n3A_220 : i32 to index
        %parallel_loop3A_720 = arith.index_cast %parallel_loop3A_321 : i32 to index
        %parallel_loop3A_721 = arith.constant 480 : index
        %parallel_loop3A_722 = tpu.vector_load %arg8[%parallel_loop3A_719, %parallel_loop3A_720, %parallel_loop3A_721] {strides = array<i32>} : memref<3x32x768xf32, #tpu.memory_space<vmem>>, vector<1x1x16xf32>,
        %parallel_loop3A_723 = vector.shape_cast %parallel_loop3A_722 : vector<1x1x16xf32> to vector<16xf32>
        %parallel_loop3A_724 = vector.shape_cast %parallel_loop3A_718 : vector<16xf32> to vector<1x1x16xf32>
        tpu.vector_store %arg8[%parallel_loop3A_719, %parallel_loop3A_720, %parallel_loop3A_721], %parallel_loop3A_724 {add = true, strides = array<i32>} : memref<3x32x768xf32, #tpu.memory_space<vmem>>, vector<1x1x16xf32>,
        %parallel_loop3A_725 = arith.constant 32 : i32
        %parallel_loop3A_726 = arith.muli %sub3A_244, %parallel_loop3A_725 : i32
        %parallel_loop3A_727 = arith.addi %parallel_loop3A_726, %parallel_loop3A_321 : i32
        %parallel_loop3A_728 = arith.index_cast %parallel_loop3A_727 : i32 to index
        %parallel_loop3A_729 = arith.constant 496 : index
        %parallel_loop3A_730 = tpu.vector_load %arg7[%parallel_loop3A_728, %parallel_loop3A_729] {strides = array<i32>} : memref<64x768xf32, #tpu.memory_space<vmem>>, vector<1x16xf32>,
        %parallel_loop3A_731 = vector.shape_cast %parallel_loop3A_730 : vector<1x16xf32> to vector<16xf32>
        %parallel_loop3A_732 = arith.index_cast %select_n3A_220 : i32 to index
        %parallel_loop3A_733 = arith.index_cast %parallel_loop3A_321 : i32 to index
        %parallel_loop3A_734 = arith.constant 496 : index
        %parallel_loop3A_735 = tpu.vector_load %arg8[%parallel_loop3A_732, %parallel_loop3A_733, %parallel_loop3A_734] {strides = array<i32>} : memref<3x32x768xf32, #tpu.memory_space<vmem>>, vector<1x1x16xf32>,
        %parallel_loop3A_736 = vector.shape_cast %parallel_loop3A_735 : vector<1x1x16xf32> to vector<16xf32>
        %parallel_loop3A_737 = vector.shape_cast %parallel_loop3A_731 : vector<16xf32> to vector<1x1x16xf32>
        tpu.vector_store %arg8[%parallel_loop3A_732, %parallel_loop3A_733, %parallel_loop3A_734], %parallel_loop3A_737 {add = true, strides = array<i32>} : memref<3x32x768xf32, #tpu.memory_space<vmem>>, vector<1x1x16xf32>,
        %parallel_loop3A_738 = arith.constant 32 : i32
        %parallel_loop3A_739 = arith.muli %sub3A_244, %parallel_loop3A_738 : i32
        %parallel_loop3A_740 = arith.addi %parallel_loop3A_739, %parallel_loop3A_321 : i32
        %parallel_loop3A_741 = arith.index_cast %parallel_loop3A_740 : i32 to index
        %parallel_loop3A_742 = arith.constant 512 : index
        %parallel_loop3A_743 = tpu.vector_load %arg7[%parallel_loop3A_741, %parallel_loop3A_742] {strides = array<i32>} : memref<64x768xf32, #tpu.memory_space<vmem>>, vector<1x16xf32>,
        %parallel_loop3A_744 = vector.shape_cast %parallel_loop3A_743 : vector<1x16xf32> to vector<16xf32>
        %parallel_loop3A_745 = arith.index_cast %select_n3A_220 : i32 to index
        %parallel_loop3A_746 = arith.index_cast %parallel_loop3A_321 : i32 to index
        %parallel_loop3A_747 = arith.constant 512 : index
        %parallel_loop3A_748 = tpu.vector_load %arg8[%parallel_loop3A_745, %parallel_loop3A_746, %parallel_loop3A_747] {strides = array<i32>} : memref<3x32x768xf32, #tpu.memory_space<vmem>>, vector<1x1x16xf32>,
        %parallel_loop3A_749 = vector.shape_cast %parallel_loop3A_748 : vector<1x1x16xf32> to vector<16xf32>
        %parallel_loop3A_750 = vector.shape_cast %parallel_loop3A_744 : vector<16xf32> to vector<1x1x16xf32>
        tpu.vector_store %arg8[%parallel_loop3A_745, %parallel_loop3A_746, %parallel_loop3A_747], %parallel_loop3A_750 {add = true, strides = array<i32>} : memref<3x32x768xf32, #tpu.memory_space<vmem>>, vector<1x1x16xf32>,
        %parallel_loop3A_751 = arith.constant 32 : i32
        %parallel_loop3A_752 = arith.muli %sub3A_244, %parallel_loop3A_751 : i32
        %parallel_loop3A_753 = arith.addi %parallel_loop3A_752, %parallel_loop3A_321 : i32
        %parallel_loop3A_754 = arith.index_cast %parallel_loop3A_753 : i32 to index
        %parallel_loop3A_755 = arith.constant 528 : index
        %parallel_loop3A_756 = tpu.vector_load %arg7[%parallel_loop3A_754, %parallel_loop3A_755] {strides = array<i32>} : memref<64x768xf32, #tpu.memory_space<vmem>>, vector<1x16xf32>,
        %parallel_loop3A_757 = vector.shape_cast %parallel_loop3A_756 : vector<1x16xf32> to vector<16xf32>
        %parallel_loop3A_758 = arith.index_cast %select_n3A_220 : i32 to index
        %parallel_loop3A_759 = arith.index_cast %parallel_loop3A_321 : i32 to index
        %parallel_loop3A_760 = arith.constant 528 : index
        %parallel_loop3A_761 = tpu.vector_load %arg8[%parallel_loop3A_758, %parallel_loop3A_759, %parallel_loop3A_760] {strides = array<i32>} : memref<3x32x768xf32, #tpu.memory_space<vmem>>, vector<1x1x16xf32>,
        %parallel_loop3A_762 = vector.shape_cast %parallel_loop3A_761 : vector<1x1x16xf32> to vector<16xf32>
        %parallel_loop3A_763 = vector.shape_cast %parallel_loop3A_757 : vector<16xf32> to vector<1x1x16xf32>
        tpu.vector_store %arg8[%parallel_loop3A_758, %parallel_loop3A_759, %parallel_loop3A_760], %parallel_loop3A_763 {add = true, strides = array<i32>} : memref<3x32x768xf32, #tpu.memory_space<vmem>>, vector<1x1x16xf32>,
        %parallel_loop3A_764 = arith.constant 32 : i32
        %parallel_loop3A_765 = arith.muli %sub3A_244, %parallel_loop3A_764 : i32
        %parallel_loop3A_766 = arith.addi %parallel_loop3A_765, %parallel_loop3A_321 : i32
        %parallel_loop3A_767 = arith.index_cast %parallel_loop3A_766 : i32 to index
        %parallel_loop3A_768 = arith.constant 544 : index
        %parallel_loop3A_769 = tpu.vector_load %arg7[%parallel_loop3A_767, %parallel_loop3A_768] {strides = array<i32>} : memref<64x768xf32, #tpu.memory_space<vmem>>, vector<1x16xf32>,
        %parallel_loop3A_770 = vector.shape_cast %parallel_loop3A_769 : vector<1x16xf32> to vector<16xf32>
        %parallel_loop3A_771 = arith.index_cast %select_n3A_220 : i32 to index
        %parallel_loop3A_772 = arith.index_cast %parallel_loop3A_321 : i32 to index
        %parallel_loop3A_773 = arith.constant 544 : index
        %parallel_loop3A_774 = tpu.vector_load %arg8[%parallel_loop3A_771, %parallel_loop3A_772, %parallel_loop3A_773] {strides = array<i32>} : memref<3x32x768xf32, #tpu.memory_space<vmem>>, vector<1x1x16xf32>,
        %parallel_loop3A_775 = vector.shape_cast %parallel_loop3A_774 : vector<1x1x16xf32> to vector<16xf32>
        %parallel_loop3A_776 = vector.shape_cast %parallel_loop3A_770 : vector<16xf32> to vector<1x1x16xf32>
        tpu.vector_store %arg8[%parallel_loop3A_771, %parallel_loop3A_772, %parallel_loop3A_773], %parallel_loop3A_776 {add = true, strides = array<i32>} : memref<3x32x768xf32, #tpu.memory_space<vmem>>, vector<1x1x16xf32>,
        %parallel_loop3A_777 = arith.constant 32 : i32
        %parallel_loop3A_778 = arith.muli %sub3A_244, %parallel_loop3A_777 : i32
        %parallel_loop3A_779 = arith.addi %parallel_loop3A_778, %parallel_loop3A_321 : i32
        %parallel_loop3A_780 = arith.index_cast %parallel_loop3A_779 : i32 to index
        %parallel_loop3A_781 = arith.constant 560 : index
        %parallel_loop3A_782 = tpu.vector_load %arg7[%parallel_loop3A_780, %parallel_loop3A_781] {strides = array<i32>} : memref<64x768xf32, #tpu.memory_space<vmem>>, vector<1x16xf32>,
        %parallel_loop3A_783 = vector.shape_cast %parallel_loop3A_782 : vector<1x16xf32> to vector<16xf32>
        %parallel_loop3A_784 = arith.index_cast %select_n3A_220 : i32 to index
        %parallel_loop3A_785 = arith.index_cast %parallel_loop3A_321 : i32 to index
        %parallel_loop3A_786 = arith.constant 560 : index
        %parallel_loop3A_787 = tpu.vector_load %arg8[%parallel_loop3A_784, %parallel_loop3A_785, %parallel_loop3A_786] {strides = array<i32>} : memref<3x32x768xf32, #tpu.memory_space<vmem>>, vector<1x1x16xf32>,
        %parallel_loop3A_788 = vector.shape_cast %parallel_loop3A_787 : vector<1x1x16xf32> to vector<16xf32>
        %parallel_loop3A_789 = vector.shape_cast %parallel_loop3A_783 : vector<16xf32> to vector<1x1x16xf32>
        tpu.vector_store %arg8[%parallel_loop3A_784, %parallel_loop3A_785, %parallel_loop3A_786], %parallel_loop3A_789 {add = true, strides = array<i32>} : memref<3x32x768xf32, #tpu.memory_space<vmem>>, vector<1x1x16xf32>,
        %parallel_loop3A_790 = arith.constant 32 : i32
        %parallel_loop3A_791 = arith.muli %sub3A_244, %parallel_loop3A_790 : i32
        %parallel_loop3A_792 = arith.addi %parallel_loop3A_791, %parallel_loop3A_321 : i32
        %parallel_loop3A_793 = arith.index_cast %parallel_loop3A_792 : i32 to index
        %parallel_loop3A_794 = arith.constant 576 : index
        %parallel_loop3A_795 = tpu.vector_load %arg7[%parallel_loop3A_793, %parallel_loop3A_794] {strides = array<i32>} : memref<64x768xf32, #tpu.memory_space<vmem>>, vector<1x16xf32>,
        %parallel_loop3A_796 = vector.shape_cast %parallel_loop3A_795 : vector<1x16xf32> to vector<16xf32>
        %parallel_loop3A_797 = arith.index_cast %select_n3A_220 : i32 to index
        %parallel_loop3A_798 = arith.index_cast %parallel_loop3A_321 : i32 to index
        %parallel_loop3A_799 = arith.constant 576 : index
        %parallel_loop3A_800 = tpu.vector_load %arg8[%parallel_loop3A_797, %parallel_loop3A_798, %parallel_loop3A_799] {strides = array<i32>} : memref<3x32x768xf32, #tpu.memory_space<vmem>>, vector<1x1x16xf32>,
        %parallel_loop3A_801 = vector.shape_cast %parallel_loop3A_800 : vector<1x1x16xf32> to vector<16xf32>
        %parallel_loop3A_802 = vector.shape_cast %parallel_loop3A_796 : vector<16xf32> to vector<1x1x16xf32>
        tpu.vector_store %arg8[%parallel_loop3A_797, %parallel_loop3A_798, %parallel_loop3A_799], %parallel_loop3A_802 {add = true, strides = array<i32>} : memref<3x32x768xf32, #tpu.memory_space<vmem>>, vector<1x1x16xf32>,
        %parallel_loop3A_803 = arith.constant 32 : i32
        %parallel_loop3A_804 = arith.muli %sub3A_244, %parallel_loop3A_803 : i32
        %parallel_loop3A_805 = arith.addi %parallel_loop3A_804, %parallel_loop3A_321 : i32
        %parallel_loop3A_806 = arith.index_cast %parallel_loop3A_805 : i32 to index
        %parallel_loop3A_807 = arith.constant 592 : index
        %parallel_loop3A_808 = tpu.vector_load %arg7[%parallel_loop3A_806, %parallel_loop3A_807] {strides = array<i32>} : memref<64x768xf32, #tpu.memory_space<vmem>>, vector<1x16xf32>,
        %parallel_loop3A_809 = vector.shape_cast %parallel_loop3A_808 : vector<1x16xf32> to vector<16xf32>
        %parallel_loop3A_810 = arith.index_cast %select_n3A_220 : i32 to index
        %parallel_loop3A_811 = arith.index_cast %parallel_loop3A_321 : i32 to index
        %parallel_loop3A_812 = arith.constant 592 : index
        %parallel_loop3A_813 = tpu.vector_load %arg8[%parallel_loop3A_810, %parallel_loop3A_811, %parallel_loop3A_812] {strides = array<i32>} : memref<3x32x768xf32, #tpu.memory_space<vmem>>, vector<1x1x16xf32>,
        %parallel_loop3A_814 = vector.shape_cast %parallel_loop3A_813 : vector<1x1x16xf32> to vector<16xf32>
        %parallel_loop3A_815 = vector.shape_cast %parallel_loop3A_809 : vector<16xf32> to vector<1x1x16xf32>
        tpu.vector_store %arg8[%parallel_loop3A_810, %parallel_loop3A_811, %parallel_loop3A_812], %parallel_loop3A_815 {add = true, strides = array<i32>} : memref<3x32x768xf32, #tpu.memory_space<vmem>>, vector<1x1x16xf32>,
        %parallel_loop3A_816 = arith.constant 32 : i32
        %parallel_loop3A_817 = arith.muli %sub3A_244, %parallel_loop3A_816 : i32
        %parallel_loop3A_818 = arith.addi %parallel_loop3A_817, %parallel_loop3A_321 : i32
        %parallel_loop3A_819 = arith.index_cast %parallel_loop3A_818 : i32 to index
        %parallel_loop3A_820 = arith.constant 608 : index
        %parallel_loop3A_821 = tpu.vector_load %arg7[%parallel_loop3A_819, %parallel_loop3A_820] {strides = array<i32>} : memref<64x768xf32, #tpu.memory_space<vmem>>, vector<1x16xf32>,
        %parallel_loop3A_822 = vector.shape_cast %parallel_loop3A_821 : vector<1x16xf32> to vector<16xf32>
        %parallel_loop3A_823 = arith.index_cast %select_n3A_220 : i32 to index
        %parallel_loop3A_824 = arith.index_cast %parallel_loop3A_321 : i32 to index
        %parallel_loop3A_825 = arith.constant 608 : index
        %parallel_loop3A_826 = tpu.vector_load %arg8[%parallel_loop3A_823, %parallel_loop3A_824, %parallel_loop3A_825] {strides = array<i32>} : memref<3x32x768xf32, #tpu.memory_space<vmem>>, vector<1x1x16xf32>,
        %parallel_loop3A_827 = vector.shape_cast %parallel_loop3A_826 : vector<1x1x16xf32> to vector<16xf32>
        %parallel_loop3A_828 = vector.shape_cast %parallel_loop3A_822 : vector<16xf32> to vector<1x1x16xf32>
        tpu.vector_store %arg8[%parallel_loop3A_823, %parallel_loop3A_824, %parallel_loop3A_825], %parallel_loop3A_828 {add = true, strides = array<i32>} : memref<3x32x768xf32, #tpu.memory_space<vmem>>, vector<1x1x16xf32>,
        %parallel_loop3A_829 = arith.constant 32 : i32
        %parallel_loop3A_830 = arith.muli %sub3A_244, %parallel_loop3A_829 : i32
        %parallel_loop3A_831 = arith.addi %parallel_loop3A_830, %parallel_loop3A_321 : i32
        %parallel_loop3A_832 = arith.index_cast %parallel_loop3A_831 : i32 to index
        %parallel_loop3A_833 = arith.constant 624 : index
        %parallel_loop3A_834 = tpu.vector_load %arg7[%parallel_loop3A_832, %parallel_loop3A_833] {strides = array<i32>} : memref<64x768xf32, #tpu.memory_space<vmem>>, vector<1x16xf32>,
        %parallel_loop3A_835 = vector.shape_cast %parallel_loop3A_834 : vector<1x16xf32> to vector<16xf32>
        %parallel_loop3A_836 = arith.index_cast %select_n3A_220 : i32 to index
        %parallel_loop3A_837 = arith.index_cast %parallel_loop3A_321 : i32 to index
        %parallel_loop3A_838 = arith.constant 624 : index
        %parallel_loop3A_839 = tpu.vector_load %arg8[%parallel_loop3A_836, %parallel_loop3A_837, %parallel_loop3A_838] {strides = array<i32>} : memref<3x32x768xf32, #tpu.memory_space<vmem>>, vector<1x1x16xf32>,
        %parallel_loop3A_840 = vector.shape_cast %parallel_loop3A_839 : vector<1x1x16xf32> to vector<16xf32>
        %parallel_loop3A_841 = vector.shape_cast %parallel_loop3A_835 : vector<16xf32> to vector<1x1x16xf32>
        tpu.vector_store %arg8[%parallel_loop3A_836, %parallel_loop3A_837, %parallel_loop3A_838], %parallel_loop3A_841 {add = true, strides = array<i32>} : memref<3x32x768xf32, #tpu.memory_space<vmem>>, vector<1x1x16xf32>,
        %parallel_loop3A_842 = arith.constant 32 : i32
        %parallel_loop3A_843 = arith.muli %sub3A_244, %parallel_loop3A_842 : i32
        %parallel_loop3A_844 = arith.addi %parallel_loop3A_843, %parallel_loop3A_321 : i32
        %parallel_loop3A_845 = arith.index_cast %parallel_loop3A_844 : i32 to index
        %parallel_loop3A_846 = arith.constant 640 : index
        %parallel_loop3A_847 = tpu.vector_load %arg7[%parallel_loop3A_845, %parallel_loop3A_846] {strides = array<i32>} : memref<64x768xf32, #tpu.memory_space<vmem>>, vector<1x16xf32>,
        %parallel_loop3A_848 = vector.shape_cast %parallel_loop3A_847 : vector<1x16xf32> to vector<16xf32>
        %parallel_loop3A_849 = arith.index_cast %select_n3A_220 : i32 to index
        %parallel_loop3A_850 = arith.index_cast %parallel_loop3A_321 : i32 to index
        %parallel_loop3A_851 = arith.constant 640 : index
        %parallel_loop3A_852 = tpu.vector_load %arg8[%parallel_loop3A_849, %parallel_loop3A_850, %parallel_loop3A_851] {strides = array<i32>} : memref<3x32x768xf32, #tpu.memory_space<vmem>>, vector<1x1x16xf32>,
        %parallel_loop3A_853 = vector.shape_cast %parallel_loop3A_852 : vector<1x1x16xf32> to vector<16xf32>
        %parallel_loop3A_854 = vector.shape_cast %parallel_loop3A_848 : vector<16xf32> to vector<1x1x16xf32>
        tpu.vector_store %arg8[%parallel_loop3A_849, %parallel_loop3A_850, %parallel_loop3A_851], %parallel_loop3A_854 {add = true, strides = array<i32>} : memref<3x32x768xf32, #tpu.memory_space<vmem>>, vector<1x1x16xf32>,
        %parallel_loop3A_855 = arith.constant 32 : i32
        %parallel_loop3A_856 = arith.muli %sub3A_244, %parallel_loop3A_855 : i32
        %parallel_loop3A_857 = arith.addi %parallel_loop3A_856, %parallel_loop3A_321 : i32
        %parallel_loop3A_858 = arith.index_cast %parallel_loop3A_857 : i32 to index
        %parallel_loop3A_859 = arith.constant 656 : index
        %parallel_loop3A_860 = tpu.vector_load %arg7[%parallel_loop3A_858, %parallel_loop3A_859] {strides = array<i32>} : memref<64x768xf32, #tpu.memory_space<vmem>>, vector<1x16xf32>,
        %parallel_loop3A_861 = vector.shape_cast %parallel_loop3A_860 : vector<1x16xf32> to vector<16xf32>
        %parallel_loop3A_862 = arith.index_cast %select_n3A_220 : i32 to index
        %parallel_loop3A_863 = arith.index_cast %parallel_loop3A_321 : i32 to index
        %parallel_loop3A_864 = arith.constant 656 : index
        %parallel_loop3A_865 = tpu.vector_load %arg8[%parallel_loop3A_862, %parallel_loop3A_863, %parallel_loop3A_864] {strides = array<i32>} : memref<3x32x768xf32, #tpu.memory_space<vmem>>, vector<1x1x16xf32>,
        %parallel_loop3A_866 = vector.shape_cast %parallel_loop3A_865 : vector<1x1x16xf32> to vector<16xf32>
        %parallel_loop3A_867 = vector.shape_cast %parallel_loop3A_861 : vector<16xf32> to vector<1x1x16xf32>
        tpu.vector_store %arg8[%parallel_loop3A_862, %parallel_loop3A_863, %parallel_loop3A_864], %parallel_loop3A_867 {add = true, strides = array<i32>} : memref<3x32x768xf32, #tpu.memory_space<vmem>>, vector<1x1x16xf32>,
        %parallel_loop3A_868 = arith.constant 32 : i32
        %parallel_loop3A_869 = arith.muli %sub3A_244, %parallel_loop3A_868 : i32
        %parallel_loop3A_870 = arith.addi %parallel_loop3A_869, %parallel_loop3A_321 : i32
        %parallel_loop3A_871 = arith.index_cast %parallel_loop3A_870 : i32 to index
        %parallel_loop3A_872 = arith.constant 672 : index
        %parallel_loop3A_873 = tpu.vector_load %arg7[%parallel_loop3A_871, %parallel_loop3A_872] {strides = array<i32>} : memref<64x768xf32, #tpu.memory_space<vmem>>, vector<1x16xf32>,
        %parallel_loop3A_874 = vector.shape_cast %parallel_loop3A_873 : vector<1x16xf32> to vector<16xf32>
        %parallel_loop3A_875 = arith.index_cast %select_n3A_220 : i32 to index
        %parallel_loop3A_876 = arith.index_cast %parallel_loop3A_321 : i32 to index
        %parallel_loop3A_877 = arith.constant 672 : index
        %parallel_loop3A_878 = tpu.vector_load %arg8[%parallel_loop3A_875, %parallel_loop3A_876, %parallel_loop3A_877] {strides = array<i32>} : memref<3x32x768xf32, #tpu.memory_space<vmem>>, vector<1x1x16xf32>,
        %parallel_loop3A_879 = vector.shape_cast %parallel_loop3A_878 : vector<1x1x16xf32> to vector<16xf32>
        %parallel_loop3A_880 = vector.shape_cast %parallel_loop3A_874 : vector<16xf32> to vector<1x1x16xf32>
        tpu.vector_store %arg8[%parallel_loop3A_875, %parallel_loop3A_876, %parallel_loop3A_877], %parallel_loop3A_880 {add = true, strides = array<i32>} : memref<3x32x768xf32, #tpu.memory_space<vmem>>, vector<1x1x16xf32>,
        %parallel_loop3A_881 = arith.constant 32 : i32
        %parallel_loop3A_882 = arith.muli %sub3A_244, %parallel_loop3A_881 : i32
        %parallel_loop3A_883 = arith.addi %parallel_loop3A_882, %parallel_loop3A_321 : i32
        %parallel_loop3A_884 = arith.index_cast %parallel_loop3A_883 : i32 to index
        %parallel_loop3A_885 = arith.constant 688 : index
        %parallel_loop3A_886 = tpu.vector_load %arg7[%parallel_loop3A_884, %parallel_loop3A_885] {strides = array<i32>} : memref<64x768xf32, #tpu.memory_space<vmem>>, vector<1x16xf32>,
        %parallel_loop3A_887 = vector.shape_cast %parallel_loop3A_886 : vector<1x16xf32> to vector<16xf32>
        %parallel_loop3A_888 = arith.index_cast %select_n3A_220 : i32 to index
        %parallel_loop3A_889 = arith.index_cast %parallel_loop3A_321 : i32 to index
        %parallel_loop3A_890 = arith.constant 688 : index
        %parallel_loop3A_891 = tpu.vector_load %arg8[%parallel_loop3A_888, %parallel_loop3A_889, %parallel_loop3A_890] {strides = array<i32>} : memref<3x32x768xf32, #tpu.memory_space<vmem>>, vector<1x1x16xf32>,
        %parallel_loop3A_892 = vector.shape_cast %parallel_loop3A_891 : vector<1x1x16xf32> to vector<16xf32>
        %parallel_loop3A_893 = vector.shape_cast %parallel_loop3A_887 : vector<16xf32> to vector<1x1x16xf32>
        tpu.vector_store %arg8[%parallel_loop3A_888, %parallel_loop3A_889, %parallel_loop3A_890], %parallel_loop3A_893 {add = true, strides = array<i32>} : memref<3x32x768xf32, #tpu.memory_space<vmem>>, vector<1x1x16xf32>,
        %parallel_loop3A_894 = arith.constant 32 : i32
        %parallel_loop3A_895 = arith.muli %sub3A_244, %parallel_loop3A_894 : i32
        %parallel_loop3A_896 = arith.addi %parallel_loop3A_895, %parallel_loop3A_321 : i32
        %parallel_loop3A_897 = arith.index_cast %parallel_loop3A_896 : i32 to index
        %parallel_loop3A_898 = arith.constant 704 : index
        %parallel_loop3A_899 = tpu.vector_load %arg7[%parallel_loop3A_897, %parallel_loop3A_898] {strides = array<i32>} : memref<64x768xf32, #tpu.memory_space<vmem>>, vector<1x16xf32>,
        %parallel_loop3A_900 = vector.shape_cast %parallel_loop3A_899 : vector<1x16xf32> to vector<16xf32>
        %parallel_loop3A_901 = arith.index_cast %select_n3A_220 : i32 to index
        %parallel_loop3A_902 = arith.index_cast %parallel_loop3A_321 : i32 to index
        %parallel_loop3A_903 = arith.constant 704 : index
        %parallel_loop3A_904 = tpu.vector_load %arg8[%parallel_loop3A_901, %parallel_loop3A_902, %parallel_loop3A_903] {strides = array<i32>} : memref<3x32x768xf32, #tpu.memory_space<vmem>>, vector<1x1x16xf32>,
        %parallel_loop3A_905 = vector.shape_cast %parallel_loop3A_904 : vector<1x1x16xf32> to vector<16xf32>
        %parallel_loop3A_906 = vector.shape_cast %parallel_loop3A_900 : vector<16xf32> to vector<1x1x16xf32>
        tpu.vector_store %arg8[%parallel_loop3A_901, %parallel_loop3A_902, %parallel_loop3A_903], %parallel_loop3A_906 {add = true, strides = array<i32>} : memref<3x32x768xf32, #tpu.memory_space<vmem>>, vector<1x1x16xf32>,
        %parallel_loop3A_907 = arith.constant 32 : i32
        %parallel_loop3A_908 = arith.muli %sub3A_244, %parallel_loop3A_907 : i32
        %parallel_loop3A_909 = arith.addi %parallel_loop3A_908, %parallel_loop3A_321 : i32
        %parallel_loop3A_910 = arith.index_cast %parallel_loop3A_909 : i32 to index
        %parallel_loop3A_911 = arith.constant 720 : index
        %parallel_loop3A_912 = tpu.vector_load %arg7[%parallel_loop3A_910, %parallel_loop3A_911] {strides = array<i32>} : memref<64x768xf32, #tpu.memory_space<vmem>>, vector<1x16xf32>,
        %parallel_loop3A_913 = vector.shape_cast %parallel_loop3A_912 : vector<1x16xf32> to vector<16xf32>
        %parallel_loop3A_914 = arith.index_cast %select_n3A_220 : i32 to index
        %parallel_loop3A_915 = arith.index_cast %parallel_loop3A_321 : i32 to index
        %parallel_loop3A_916 = arith.constant 720 : index
        %parallel_loop3A_917 = tpu.vector_load %arg8[%parallel_loop3A_914, %parallel_loop3A_915, %parallel_loop3A_916] {strides = array<i32>} : memref<3x32x768xf32, #tpu.memory_space<vmem>>, vector<1x1x16xf32>,
        %parallel_loop3A_918 = vector.shape_cast %parallel_loop3A_917 : vector<1x1x16xf32> to vector<16xf32>
        %parallel_loop3A_919 = vector.shape_cast %parallel_loop3A_913 : vector<16xf32> to vector<1x1x16xf32>
        tpu.vector_store %arg8[%parallel_loop3A_914, %parallel_loop3A_915, %parallel_loop3A_916], %parallel_loop3A_919 {add = true, strides = array<i32>} : memref<3x32x768xf32, #tpu.memory_space<vmem>>, vector<1x1x16xf32>,
        %parallel_loop3A_920 = arith.constant 32 : i32
        %parallel_loop3A_921 = arith.muli %sub3A_244, %parallel_loop3A_920 : i32
        %parallel_loop3A_922 = arith.addi %parallel_loop3A_921, %parallel_loop3A_321 : i32
        %parallel_loop3A_923 = arith.index_cast %parallel_loop3A_922 : i32 to index
        %parallel_loop3A_924 = arith.constant 736 : index
        %parallel_loop3A_925 = tpu.vector_load %arg7[%parallel_loop3A_923, %parallel_loop3A_924] {strides = array<i32>} : memref<64x768xf32, #tpu.memory_space<vmem>>, vector<1x16xf32>,
        %parallel_loop3A_926 = vector.shape_cast %parallel_loop3A_925 : vector<1x16xf32> to vector<16xf32>
        %parallel_loop3A_927 = arith.index_cast %select_n3A_220 : i32 to index
        %parallel_loop3A_928 = arith.index_cast %parallel_loop3A_321 : i32 to index
        %parallel_loop3A_929 = arith.constant 736 : index
        %parallel_loop3A_930 = tpu.vector_load %arg8[%parallel_loop3A_927, %parallel_loop3A_928, %parallel_loop3A_929] {strides = array<i32>} : memref<3x32x768xf32, #tpu.memory_space<vmem>>, vector<1x1x16xf32>,
        %parallel_loop3A_931 = vector.shape_cast %parallel_loop3A_930 : vector<1x1x16xf32> to vector<16xf32>
        %parallel_loop3A_932 = vector.shape_cast %parallel_loop3A_926 : vector<16xf32> to vector<1x1x16xf32>
        tpu.vector_store %arg8[%parallel_loop3A_927, %parallel_loop3A_928, %parallel_loop3A_929], %parallel_loop3A_932 {add = true, strides = array<i32>} : memref<3x32x768xf32, #tpu.memory_space<vmem>>, vector<1x1x16xf32>,
        %parallel_loop3A_933 = arith.constant 32 : i32
        %parallel_loop3A_934 = arith.muli %sub3A_244, %parallel_loop3A_933 : i32
        %parallel_loop3A_935 = arith.addi %parallel_loop3A_934, %parallel_loop3A_321 : i32
        %parallel_loop3A_936 = arith.index_cast %parallel_loop3A_935 : i32 to index
        %parallel_loop3A_937 = arith.constant 752 : index
        %parallel_loop3A_938 = tpu.vector_load %arg7[%parallel_loop3A_936, %parallel_loop3A_937] {strides = array<i32>} : memref<64x768xf32, #tpu.memory_space<vmem>>, vector<1x16xf32>,
        %parallel_loop3A_939 = vector.shape_cast %parallel_loop3A_938 : vector<1x16xf32> to vector<16xf32>
        %parallel_loop3A_940 = arith.index_cast %select_n3A_220 : i32 to index
        %parallel_loop3A_941 = arith.index_cast %parallel_loop3A_321 : i32 to index
        %parallel_loop3A_942 = arith.constant 752 : index
        %parallel_loop3A_943 = tpu.vector_load %arg8[%parallel_loop3A_940, %parallel_loop3A_941, %parallel_loop3A_942] {strides = array<i32>} : memref<3x32x768xf32, #tpu.memory_space<vmem>>, vector<1x1x16xf32>,
        %parallel_loop3A_944 = vector.shape_cast %parallel_loop3A_943 : vector<1x1x16xf32> to vector<16xf32>
        %parallel_loop3A_945 = vector.shape_cast %parallel_loop3A_939 : vector<16xf32> to vector<1x1x16xf32>
        tpu.vector_store %arg8[%parallel_loop3A_940, %parallel_loop3A_941, %parallel_loop3A_942], %parallel_loop3A_945 {add = true, strides = array<i32>} : memref<3x32x768xf32, #tpu.memory_space<vmem>>, vector<1x1x16xf32>,
      } {sc.loop_unroll_factor = 2 : i64, sc.parallel_access}
      %jit3A_263 = arith.constant 2 : i32
      %div3A_264 = arith.divsi %scan3A_211, %jit3A_263 : i32
      %sign3A_265 = arith.constant 0 : i32
      %sign3A_266 = arith.cmpi sgt, %scan3A_211, %sign3A_265 : i32
      %sign3A_267 = arith.extui %sign3A_266 : i1 to i32
      %sign3A_268 = arith.constant 0 : i32
      %sign3A_269 = arith.cmpi slt, %scan3A_211, %sign3A_268 : i32
      %sign3A_270 = arith.extui %sign3A_269 : i1 to i32
      %sign3A_271 = arith.subi %sign3A_267, %sign3A_270 : i32
      %sign3A_272 = arith.constant 0 : i32
      %sign3A_273 = arith.cmpi sgt, %jit3A_263, %sign3A_272 : i32
      %sign3A_274 = arith.extui %sign3A_273 : i1 to i32
      %sign3A_275 = arith.constant 0 : i32
      %sign3A_276 = arith.cmpi slt, %jit3A_263, %sign3A_275 : i32
      %sign3A_277 = arith.extui %sign3A_276 : i1 to i32
      %sign3A_278 = arith.subi %sign3A_274, %sign3A_277 : i32
      %ne3A_279 = arith.cmpi ne, %sign3A_271, %sign3A_278 : i32
      %rem3A_280 = arith.remsi %scan3A_211, %jit3A_263 : i32
      %ne3A_281 = arith.constant 0 : i32
      %ne3A_282 = arith.cmpi ne, %rem3A_280, %ne3A_281 : i32
      %and3A_283 = arith.andi %ne3A_279, %ne3A_282 : i1
      %sub3A_284 = arith.constant 1 : i32
      %sub3A_285 = arith.subi %div3A_264, %sub3A_284 : i32
      %select_n3A_286 = arith.select %and3A_283, %sub3A_285, %div3A_264 : i32
      %mul3A_287 = arith.constant 2 : i32
      %mul3A_288 = arith.muli %select_n3A_286, %mul3A_287 : i32
      %sub3A_289 = arith.subi %scan3A_211, %mul3A_288 : i32
      %mul3A_290 = arith.constant 2048 : i32
      %mul3A_291 = arith.muli %select_n3A_286, %mul3A_290 : i32
      %add3A_292 = arith.addi %mul3A_291, %mul3A_2 : i32
      %mul3A_293 = arith.constant 32 : i32
      %mul3A_294 = arith.muli %sub3A_289, %mul3A_293 : i32
      %add3A_295 = arith.addi %add3A_292, %mul3A_294 : i32
      %dma_start3A_296 = arith.constant 0 : i32
      %dma_start3A_297 = arith.constant 0 : i32
      %dma_start3A_298 = tpu.memref_slice %arg8[%select_n3A_220, %dma_start3A_296, %dma_start3A_297] : memref<3x32x768xf32, #tpu.memory_space<vmem>> -> memref<1x32x768xf32, #tpu.memory_space<vmem>>
      %dma_start3A_299 = tpu.memref_squeeze %dma_start3A_298 : memref<1x32x768xf32, #tpu.memory_space<vmem>> -> memref<32x768xf32, #tpu.memory_space<vmem>>
      %dma_start3A_300 = arith.constant 0 : i32
      %dma_start3A_301 = tpu.memref_slice %arg5[%add3A_295, %dma_start3A_300] : memref<8192x768xf32, #tpu.memory_space<hbm>> -> memref<32x768xf32, #tpu.memory_space<hbm>>
      %dma_start3A_302 = tpu.memref_slice %arg10[%select_n3A_220] : memref<3x!tpu.dma_semaphore, #tpu.memory_space<semaphore_mem>> -> memref<1x!tpu.dma_semaphore, #tpu.memory_space<semaphore_mem>>
      %dma_start3A_303 = tpu.memref_squeeze %dma_start3A_302 : memref<1x!tpu.dma_semaphore, #tpu.memory_space<semaphore_mem>> -> memref<!tpu.dma_semaphore, #tpu.memory_space<semaphore_mem>>
      %dma_start3A_304 = arith.constant 0 : i32
      %dma_start3A_305 = tpu.memref_slice %arg5[%add3A_295, %dma_start3A_304] : memref<8192x768xf32, #tpu.memory_space<hbm>> -> memref<32x768xf32, #tpu.memory_space<hbm>>
      %dma_start3A_306 = arith.constant 0 : i32
      %dma_start3A_307 = arith.constant 0 : i32
      %dma_start3A_308 = tpu.memref_slice %arg8[%select_n3A_220, %dma_start3A_306, %dma_start3A_307] : memref<3x32x768xf32, #tpu.memory_space<vmem>> -> memref<1x32x768xf32, #tpu.memory_space<vmem>>
      %dma_start3A_309 = tpu.memref_squeeze %dma_start3A_308 : memref<1x32x768xf32, #tpu.memory_space<vmem>> -> memref<32x768xf32, #tpu.memory_space<vmem>>
      tpu.enqueue_dma source(%dma_start3A_309 : memref<32x768xf32, #tpu.memory_space<vmem>>) target(%dma_start3A_305 : memref<32x768xf32, #tpu.memory_space<hbm>>) target_semaphore(%dma_start3A_303 : memref<!tpu.dma_semaphore, #tpu.memory_space<semaphore_mem>>)
      %gt3A = arith.constant 0 : i32
      %gt3A_310 = arith.cmpi sgt, %scan3A_211, %gt3A : i32
      %add3A_311 = arith.constant 3 : i32
      %add3A_312 = arith.addi %scan3A_211, %add3A_311 : i32
      %sub3A_313 = arith.constant 1 : i32
      %sub3A_314 = arith.subi %add3A_312, %sub3A_313 : i32
      %lt3A_315 = arith.constant 8 : i32
      %lt3A_316 = arith.cmpi slt, %sub3A_314, %lt3A_315 : i32
      %and3A_317 = arith.andi %gt3A_310, %lt3A_316 : i1
      %convert_element_type3A_318 = arith.extui %and3A_317 : i1 to i32
      %cond3A_319 = arith.constant 0 : i32
      %cond3A_320 = arith.cmpi ne, %convert_element_type3A_318, %cond3A_319 : i32
      scf.if %cond3A_320 {
        %sub3A_321 = arith.constant 1 : i32
        %sub3A_322 = arith.subi %scan3A_211, %sub3A_321 : i32
        %jit3A_323 = arith.constant 3 : i32
        %eq3A_324 = arith.constant 0 : i32
        %eq3A_325 = arith.cmpi eq, %jit3A_323, %eq3A_324 : i32
        %jit3A_326 = arith.constant 1 : i32
        %select_n3A_327 = arith.select %eq3A_325, %jit3A_326, %jit3A_323 : i32
        %rem3A_328 = arith.remsi %sub3A_322, %select_n3A_327 : i32
        %ne3A_329 = arith.constant 0 : i32
        %ne3A_330 = arith.cmpi ne, %rem3A_328, %ne3A_329 : i32
        %lt3A_331 = arith.constant 0 : i32
        %lt3A_332 = arith.cmpi slt, %rem3A_328, %lt3A_331 : i32
        %lt3A_333 = arith.constant 0 : i32
        %lt3A_334 = arith.cmpi slt, %select_n3A_327, %lt3A_333 : i32
        %ne3A_335 = arith.xori %lt3A_332, %lt3A_334 : i1
        %and3A_336 = arith.andi %ne3A_335, %ne3A_330 : i1
        %add3A_337 = arith.addi %rem3A_328, %select_n3A_327 : i32
        %select_n3A_338 = arith.select %and3A_336, %add3A_337, %rem3A_328 : i32
        %sub3A_339 = arith.constant 1 : i32
        %sub3A_340 = arith.subi %scan3A_211, %sub3A_339 : i32
        %jit3A_341 = arith.constant 2 : i32
        %div3A_342 = arith.divsi %sub3A_340, %jit3A_341 : i32
        %sign3A_343 = arith.constant 0 : i32
        %sign3A_344 = arith.cmpi sgt, %sub3A_340, %sign3A_343 : i32
        %sign3A_345 = arith.extui %sign3A_344 : i1 to i32
        %sign3A_346 = arith.constant 0 : i32
        %sign3A_347 = arith.cmpi slt, %sub3A_340, %sign3A_346 : i32
        %sign3A_348 = arith.extui %sign3A_347 : i1 to i32
        %sign3A_349 = arith.subi %sign3A_345, %sign3A_348 : i32
        %sign3A_350 = arith.constant 0 : i32
        %sign3A_351 = arith.cmpi sgt, %jit3A_341, %sign3A_350 : i32
        %sign3A_352 = arith.extui %sign3A_351 : i1 to i32
        %sign3A_353 = arith.constant 0 : i32
        %sign3A_354 = arith.cmpi slt, %jit3A_341, %sign3A_353 : i32
        %sign3A_355 = arith.extui %sign3A_354 : i1 to i32
        %sign3A_356 = arith.subi %sign3A_352, %sign3A_355 : i32
        %ne3A_357 = arith.cmpi ne, %sign3A_349, %sign3A_356 : i32
        %rem3A_358 = arith.remsi %sub3A_340, %jit3A_341 : i32
        %ne3A_359 = arith.constant 0 : i32
        %ne3A_360 = arith.cmpi ne, %rem3A_358, %ne3A_359 : i32
        %and3A_361 = arith.andi %ne3A_357, %ne3A_360 : i1
        %sub3A_362 = arith.constant 1 : i32
        %sub3A_363 = arith.subi %div3A_342, %sub3A_362 : i32
        %select_n3A_364 = arith.select %and3A_361, %sub3A_363, %div3A_342 : i32
        %mul3A_365 = arith.constant 2 : i32
        %mul3A_366 = arith.muli %select_n3A_364, %mul3A_365 : i32
        %sub3A_367 = arith.subi %sub3A_340, %mul3A_366 : i32
        %mul3A_368 = arith.constant 2048 : i32
        %mul3A_369 = arith.muli %select_n3A_364, %mul3A_368 : i32
        %add3A_370 = arith.addi %mul3A_369, %mul3A_2 : i32
        %mul3A_371 = arith.constant 32 : i32
        %mul3A_372 = arith.muli %sub3A_367, %mul3A_371 : i32
        %add3A_373 = arith.addi %add3A_370, %mul3A_372 : i32
        %dma_wait3A_374 = arith.constant 0 : i32
        %dma_wait3A_375 = arith.constant 0 : i32
        %dma_wait3A_376 = tpu.memref_slice %arg8[%select_n3A_338, %dma_wait3A_374, %dma_wait3A_375] : memref<3x32x768xf32, #tpu.memory_space<vmem>> -> memref<1x32x768xf32, #tpu.memory_space<vmem>>
        %dma_wait3A_377 = tpu.memref_squeeze %dma_wait3A_376 : memref<1x32x768xf32, #tpu.memory_space<vmem>> -> memref<32x768xf32, #tpu.memory_space<vmem>>
        %dma_wait3A_378 = arith.constant 0 : i32
        %dma_wait3A_379 = tpu.memref_slice %arg5[%add3A_373, %dma_wait3A_378] : memref<8192x768xf32, #tpu.memory_space<hbm>> -> memref<32x768xf32, #tpu.memory_space<hbm>>
        %dma_wait3A_380 = tpu.memref_slice %arg10[%select_n3A_338] : memref<3x!tpu.dma_semaphore, #tpu.memory_space<semaphore_mem>> -> memref<1x!tpu.dma_semaphore, #tpu.memory_space<semaphore_mem>>
        %dma_wait3A_381 = tpu.memref_squeeze %dma_wait3A_380 : memref<1x!tpu.dma_semaphore, #tpu.memory_space<semaphore_mem>> -> memref<!tpu.dma_semaphore, #tpu.memory_space<semaphore_mem>>
        %dma_wait3A_382 = arith.constant 0 : i32
        %dma_wait3A_383 = tpu.memref_slice %arg5[%add3A_373, %dma_wait3A_382] : memref<8192x768xf32, #tpu.memory_space<hbm>> -> memref<32x768xf32, #tpu.memory_space<hbm>>
        %dma_wait3A_384 = arith.constant 0 : i32
        %dma_wait3A_385 = arith.constant 0 : i32
        %dma_wait3A_386 = tpu.memref_slice %arg8[%select_n3A_338, %dma_wait3A_384, %dma_wait3A_385] : memref<3x32x768xf32, #tpu.memory_space<vmem>> -> memref<1x32x768xf32, #tpu.memory_space<vmem>>
        %dma_wait3A_387 = tpu.memref_squeeze %dma_wait3A_386 : memref<1x32x768xf32, #tpu.memory_space<vmem>> -> memref<32x768xf32, #tpu.memory_space<vmem>>
        tpu.wait_dma2 semaphore(%dma_wait3A_381 : memref<!tpu.dma_semaphore, #tpu.memory_space<semaphore_mem>>) src(%dma_wait3A_387 : memref<32x768xf32, #tpu.memory_space<vmem>>) dst(%dma_wait3A_383 : memref<32x768xf32, #tpu.memory_space<hbm>>)
        %add3A_388 = arith.constant 3 : i32
        %add3A_389 = arith.addi %scan3A_211, %add3A_388 : i32
        %sub3A_390 = arith.constant 1 : i32
        %sub3A_391 = arith.subi %add3A_389, %sub3A_390 : i32
        %jit3A_392 = arith.constant 2 : i32
        %div3A_393 = arith.divsi %sub3A_391, %jit3A_392 : i32
        %sign3A_394 = arith.constant 0 : i32
        %sign3A_395 = arith.cmpi sgt, %sub3A_391, %sign3A_394 : i32
        %sign3A_396 = arith.extui %sign3A_395 : i1 to i32
        %sign3A_397 = arith.constant 0 : i32
        %sign3A_398 = arith.cmpi slt, %sub3A_391, %sign3A_397 : i32
        %sign3A_399 = arith.extui %sign3A_398 : i1 to i32
        %sign3A_400 = arith.subi %sign3A_396, %sign3A_399 : i32
        %sign3A_401 = arith.constant 0 : i32
        %sign3A_402 = arith.cmpi sgt, %jit3A_392, %sign3A_401 : i32
        %sign3A_403 = arith.extui %sign3A_402 : i1 to i32
        %sign3A_404 = arith.constant 0 : i32
        %sign3A_405 = arith.cmpi slt, %jit3A_392, %sign3A_404 : i32
        %sign3A_406 = arith.extui %sign3A_405 : i1 to i32
        %sign3A_407 = arith.subi %sign3A_403, %sign3A_406 : i32
        %ne3A_408 = arith.cmpi ne, %sign3A_400, %sign3A_407 : i32
        %rem3A_409 = arith.remsi %sub3A_391, %jit3A_392 : i32
        %ne3A_410 = arith.constant 0 : i32
        %ne3A_411 = arith.cmpi ne, %rem3A_409, %ne3A_410 : i32
        %and3A_412 = arith.andi %ne3A_408, %ne3A_411 : i1
        %sub3A_413 = arith.constant 1 : i32
        %sub3A_414 = arith.subi %div3A_393, %sub3A_413 : i32
        %select_n3A_415 = arith.select %and3A_412, %sub3A_414, %div3A_393 : i32
        %mul3A_416 = arith.constant 2 : i32
        %mul3A_417 = arith.muli %select_n3A_415, %mul3A_416 : i32
        %sub3A_418 = arith.subi %sub3A_391, %mul3A_417 : i32
        %jit3A_419 = arith.constant 3 : i32
        %eq3A_420 = arith.constant 0 : i32
        %eq3A_421 = arith.cmpi eq, %jit3A_419, %eq3A_420 : i32
        %jit3A_422 = arith.constant 1 : i32
        %select_n3A_423 = arith.select %eq3A_421, %jit3A_422, %jit3A_419 : i32
        %rem3A_424 = arith.remsi %sub3A_391, %select_n3A_423 : i32
        %ne3A_425 = arith.constant 0 : i32
        %ne3A_426 = arith.cmpi ne, %rem3A_424, %ne3A_425 : i32
        %lt3A_427 = arith.constant 0 : i32
        %lt3A_428 = arith.cmpi slt, %rem3A_424, %lt3A_427 : i32
        %lt3A_429 = arith.constant 0 : i32
        %lt3A_430 = arith.cmpi slt, %select_n3A_423, %lt3A_429 : i32
        %ne3A_431 = arith.xori %lt3A_428, %lt3A_430 : i1
        %and3A_432 = arith.andi %ne3A_431, %ne3A_426 : i1
        %add3A_433 = arith.addi %rem3A_424, %select_n3A_423 : i32
        %select_n3A_434 = arith.select %and3A_432, %add3A_433, %rem3A_424 : i32
        %mul3A_435 = arith.constant 32 : i32
        %mul3A_436 = arith.muli %sub3A_418, %mul3A_435 : i32
        %dma_start3A_437 = arith.constant 0 : i32
        %dma_start3A_438 = arith.constant 0 : i32
        %dma_start3A_439 = tpu.memref_slice %arg8[%select_n3A_434, %dma_start3A_437, %dma_start3A_438] : memref<3x32x768xf32, #tpu.memory_space<vmem>> -> memref<1x32x768xf32, #tpu.memory_space<vmem>>
        %dma_start3A_440 = tpu.memref_squeeze %dma_start3A_439 : memref<1x32x768xf32, #tpu.memory_space<vmem>> -> memref<32x768xf32, #tpu.memory_space<vmem>>
        %dma_start3A_441 = tpu.memref_slice %arg6[%select_n3A_415, %mul3A_436] : memref<4x64xi32, #tpu.memory_space<vmem>> -> memref<1x32xi32, #tpu.memory_space<vmem>>
        %dma_start3A_442 = tpu.memref_squeeze %dma_start3A_441 : memref<1x32xi32, #tpu.memory_space<vmem>> -> memref<32xi32, #tpu.memory_space<vmem>>
        %dma_start3A_443 = arith.constant 0 : i32
        %dma_start3A_444 = arith.constant 0 : i32
        %dma_start3A_445 = tpu.memref_slice %arg3[%dma_start3A_443, %dma_start3A_444] : memref<100000x768xf32, #tpu.memory_space<hbm>> -> memref<100000x768xf32, #tpu.memory_space<hbm>>
        %dma_start3A_446 = tpu.memref_slice %arg9[%select_n3A_434] : memref<3x!tpu.dma_semaphore, #tpu.memory_space<semaphore_mem>> -> memref<1x!tpu.dma_semaphore, #tpu.memory_space<semaphore_mem>>
        %dma_start3A_447 = tpu.memref_squeeze %dma_start3A_446 : memref<1x!tpu.dma_semaphore, #tpu.memory_space<semaphore_mem>> -> memref<!tpu.dma_semaphore, #tpu.memory_space<semaphore_mem>>
        tpu.enqueue_indirect_dma source(%dma_start3A_445 : memref<100000x768xf32, #tpu.memory_space<hbm>>) target(%dma_start3A_440 : memref<32x768xf32, #tpu.memory_space<vmem>>) offsets(%dma_start3A_442 : memref<32xi32, #tpu.memory_space<vmem>>) semaphore(%dma_start3A_447 : memref<!tpu.dma_semaphore, #tpu.memory_space<semaphore_mem>>)
      } else {
      }
    }
    %scan3A_150 = arith.constant 8 : i32
    %add3A_151 = arith.constant 4096 : i32
    %add3A_152 = arith.addi %add3A_151, %mul3A_2 : i32
    %add3A_153 = arith.constant 32 : i32
    %add3A_154 = arith.addi %add3A_152, %add3A_153 : i32
    %dma_wait3A_155 = arith.constant 2 : i32
    %dma_wait3A_156 = arith.constant 2 : i32
    %dma_wait3A_157 = arith.constant 0 : i32
    %dma_wait3A_158 = arith.constant 0 : i32
    %dma_wait3A_159 = tpu.memref_slice %arg8[%dma_wait3A_155, %dma_wait3A_157, %dma_wait3A_158] : memref<3x32x768xf32, #tpu.memory_space<vmem>> -> memref<1x32x768xf32, #tpu.memory_space<vmem>>
    %dma_wait3A_160 = tpu.memref_squeeze %dma_wait3A_159 : memref<1x32x768xf32, #tpu.memory_space<vmem>> -> memref<32x768xf32, #tpu.memory_space<vmem>>
    %dma_wait3A_161 = arith.constant 0 : i32
    %dma_wait3A_162 = tpu.memref_slice %arg5[%add3A_154, %dma_wait3A_161] : memref<8192x768xf32, #tpu.memory_space<hbm>> -> memref<32x768xf32, #tpu.memory_space<hbm>>
    %dma_wait3A_163 = tpu.memref_slice %arg10[%dma_wait3A_156] : memref<3x!tpu.dma_semaphore, #tpu.memory_space<semaphore_mem>> -> memref<1x!tpu.dma_semaphore, #tpu.memory_space<semaphore_mem>>
    %dma_wait3A_164 = tpu.memref_squeeze %dma_wait3A_163 : memref<1x!tpu.dma_semaphore, #tpu.memory_space<semaphore_mem>> -> memref<!tpu.dma_semaphore, #tpu.memory_space<semaphore_mem>>
    %dma_wait3A_165 = arith.constant 0 : i32
    %dma_wait3A_166 = tpu.memref_slice %arg5[%add3A_154, %dma_wait3A_165] : memref<8192x768xf32, #tpu.memory_space<hbm>> -> memref<32x768xf32, #tpu.memory_space<hbm>>
    %dma_wait3A_167 = arith.constant 0 : i32
    %dma_wait3A_168 = arith.constant 0 : i32
    %dma_wait3A_169 = tpu.memref_slice %arg8[%dma_wait3A_155, %dma_wait3A_167, %dma_wait3A_168] : memref<3x32x768xf32, #tpu.memory_space<vmem>> -> memref<1x32x768xf32, #tpu.memory_space<vmem>>
    %dma_wait3A_170 = tpu.memref_squeeze %dma_wait3A_169 : memref<1x32x768xf32, #tpu.memory_space<vmem>> -> memref<32x768xf32, #tpu.memory_space<vmem>>
    tpu.wait_dma2 semaphore(%dma_wait3A_164 : memref<!tpu.dma_semaphore, #tpu.memory_space<semaphore_mem>>) src(%dma_wait3A_170 : memref<32x768xf32, #tpu.memory_space<vmem>>) dst(%dma_wait3A_166 : memref<32x768xf32, #tpu.memory_space<hbm>>)
    %add3A_171 = arith.constant 6144 : i32
    %add3A_172 = arith.addi %add3A_171, %mul3A_2 : i32
    %add3A_173 = arith.constant 0 : i32
    %add3A_174 = arith.addi %add3A_172, %add3A_173 : i32
    %dma_wait3A_175 = arith.constant 0 : i32
    %dma_wait3A_176 = arith.constant 0 : i32
    %dma_wait3A_177 = arith.constant 0 : i32
    %dma_wait3A_178 = arith.constant 0 : i32
    %dma_wait3A_179 = tpu.memref_slice %arg8[%dma_wait3A_175, %dma_wait3A_177, %dma_wait3A_178] : memref<3x32x768xf32, #tpu.memory_space<vmem>> -> memref<1x32x768xf32, #tpu.memory_space<vmem>>
    %dma_wait3A_180 = tpu.memref_squeeze %dma_wait3A_179 : memref<1x32x768xf32, #tpu.memory_space<vmem>> -> memref<32x768xf32, #tpu.memory_space<vmem>>
    %dma_wait3A_181 = arith.constant 0 : i32
    %dma_wait3A_182 = tpu.memref_slice %arg5[%add3A_174, %dma_wait3A_181] : memref<8192x768xf32, #tpu.memory_space<hbm>> -> memref<32x768xf32, #tpu.memory_space<hbm>>
    %dma_wait3A_183 = tpu.memref_slice %arg10[%dma_wait3A_176] : memref<3x!tpu.dma_semaphore, #tpu.memory_space<semaphore_mem>> -> memref<1x!tpu.dma_semaphore, #tpu.memory_space<semaphore_mem>>
    %dma_wait3A_184 = tpu.memref_squeeze %dma_wait3A_183 : memref<1x!tpu.dma_semaphore, #tpu.memory_space<semaphore_mem>> -> memref<!tpu.dma_semaphore, #tpu.memory_space<semaphore_mem>>
    %dma_wait3A_185 = arith.constant 0 : i32
    %dma_wait3A_186 = tpu.memref_slice %arg5[%add3A_174, %dma_wait3A_185] : memref<8192x768xf32, #tpu.memory_space<hbm>> -> memref<32x768xf32, #tpu.memory_space<hbm>>
    %dma_wait3A_187 = arith.constant 0 : i32
    %dma_wait3A_188 = arith.constant 0 : i32
    %dma_wait3A_189 = tpu.memref_slice %arg8[%dma_wait3A_175, %dma_wait3A_187, %dma_wait3A_188] : memref<3x32x768xf32, #tpu.memory_space<vmem>> -> memref<1x32x768xf32, #tpu.memory_space<vmem>>
    %dma_wait3A_190 = tpu.memref_squeeze %dma_wait3A_189 : memref<1x32x768xf32, #tpu.memory_space<vmem>> -> memref<32x768xf32, #tpu.memory_space<vmem>>
    tpu.wait_dma2 semaphore(%dma_wait3A_184 : memref<!tpu.dma_semaphore, #tpu.memory_space<semaphore_mem>>) src(%dma_wait3A_190 : memref<32x768xf32, #tpu.memory_space<vmem>>) dst(%dma_wait3A_186 : memref<32x768xf32, #tpu.memory_space<hbm>>)
    %add3A_191 = arith.constant 6144 : i32
    %add3A_192 = arith.addi %add3A_191, %mul3A_2 : i32
    %add3A_193 = arith.constant 32 : i32
    %add3A_194 = arith.addi %add3A_192, %add3A_193 : i32
    %dma_wait3A_195 = arith.constant 1 : i32
    %dma_wait3A_196 = arith.constant 1 : i32
    %dma_wait3A_197 = arith.constant 0 : i32
    %dma_wait3A_198 = arith.constant 0 : i32
    %dma_wait3A_199 = tpu.memref_slice %arg8[%dma_wait3A_195, %dma_wait3A_197, %dma_wait3A_198] : memref<3x32x768xf32, #tpu.memory_space<vmem>> -> memref<1x32x768xf32, #tpu.memory_space<vmem>>
    %dma_wait3A_200 = tpu.memref_squeeze %dma_wait3A_199 : memref<1x32x768xf32, #tpu.memory_space<vmem>> -> memref<32x768xf32, #tpu.memory_space<vmem>>
    %dma_wait3A_201 = arith.constant 0 : i32
    %dma_wait3A_202 = tpu.memref_slice %arg5[%add3A_194, %dma_wait3A_201] : memref<8192x768xf32, #tpu.memory_space<hbm>> -> memref<32x768xf32, #tpu.memory_space<hbm>>
    %dma_wait3A_203 = tpu.memref_slice %arg10[%dma_wait3A_196] : memref<3x!tpu.dma_semaphore, #tpu.memory_space<semaphore_mem>> -> memref<1x!tpu.dma_semaphore, #tpu.memory_space<semaphore_mem>>
    %dma_wait3A_204 = tpu.memref_squeeze %dma_wait3A_203 : memref<1x!tpu.dma_semaphore, #tpu.memory_space<semaphore_mem>> -> memref<!tpu.dma_semaphore, #tpu.memory_space<semaphore_mem>>
    %dma_wait3A_205 = arith.constant 0 : i32
    %dma_wait3A_206 = tpu.memref_slice %arg5[%add3A_194, %dma_wait3A_205] : memref<8192x768xf32, #tpu.memory_space<hbm>> -> memref<32x768xf32, #tpu.memory_space<hbm>>
    %dma_wait3A_207 = arith.constant 0 : i32
    %dma_wait3A_208 = arith.constant 0 : i32
    %dma_wait3A_209 = tpu.memref_slice %arg8[%dma_wait3A_195, %dma_wait3A_207, %dma_wait3A_208] : memref<3x32x768xf32, #tpu.memory_space<vmem>> -> memref<1x32x768xf32, #tpu.memory_space<vmem>>
    %dma_wait3A_210 = tpu.memref_squeeze %dma_wait3A_209 : memref<1x32x768xf32, #tpu.memory_space<vmem>> -> memref<32x768xf32, #tpu.memory_space<vmem>>
    tpu.wait_dma2 semaphore(%dma_wait3A_204 : memref<!tpu.dma_semaphore, #tpu.memory_space<semaphore_mem>>) src(%dma_wait3A_210 : memref<32x768xf32, #tpu.memory_space<vmem>>) dst(%dma_wait3A_206 : memref<32x768xf32, #tpu.memory_space<hbm>>)
    return
  }
}

</mosaic_0001>

<sc_bundles>
// kernel: kernel.3.cloned.1.call-start
scs
__scs_entry_jumppad:
0x0: {  	(pc) =	sbr.rel $0x88, $3  }
0x1: {  	(tag) =	ssettag $0x0;
	lr =	simm.s32 $0x1  }
0x2: {  	[smem:$0x3F9F] =	sst lr;
	_ =	strace $0xD0000000  }
0x3: {  	_ = 	snop  }
0x4: {  	_ = 	snop  }
0x5: {  	_ = 	snop  }
0x6: {  	_ = 	snop  }
0x7: {  	_ = 	snop  }
__scs_overlays_trampoline_lowered:
0x8: {  	[smem:$0x3FAE] =	sst s0  }
0x9: {  	[smem:$0x3FAF] =	sst s1  }
0xa: {  	[smem:$0x3FB0] =	sst s2  }
0xb: {  	[smem:$0x3FB1] =	sst s3  }
0xc: {  	[smem:$0x3FB2] =	sst s4  }
0xd: {  	[smem:$0x3FB3] =	sst s5  }
0xe: {  	[smem:$0x3FB4] =	sst s6  }
0xf: {  	[smem:$0x3FB5] =	sst s7  }
0x10: {  	[smem:$0x3FB6] =	sst s8  }
0x11: {  	[smem:$0x3FB7] =	sst s9;
	s0 =	simm.s32 @!p0 $0x0  }
0x12: {  	s1 =	sld [smem:$0x3F9D];
	s0 =	simm.s32 @p0 $0x1  }
0x13: {  	[smem:$0x3FB8] =	sst s0;
	s0 =	simm.s32 @!p1 $0x0  }
0x14: {  	s2 =	sld [smem:$0x3F9C];
	s0 =	simm.s32 @p1 $0x1  }
0x15: {  	[smem:$0x3FB9] =	sst s0;
	s0 =	simm.s32 @!p2 $0x0  }
0x16: {  	s3 =	sld [smem:$0x3FDB];
	s0 =	simm.s32 @p2 $0x1  }
0x17: {  	s4 =	simm.s32 $0x1BF5;
	[smem:$0x3FBB] =	sst s0  }
0x18: {  	s0 =	sld [smem:$0x3F9E];
	_ =	swait.ge [sflag:s4], $0x0  }
0x19: {  	s7 =	sld [smem:$0x3F9F]  }
0x1a: {  	s8 =	sadd.s32 $0xFFFFE003, lr  }
0x1b: {  	s9 =	sadd.s32 $0xFFFFFEF7, lr;
	s5 =	simm.s32 $0xFFFFFFFF;
	p2 =	slt.u32 s8, $0xFFFFF086  }
0x1c: {  	p1 =	slt.u32 s9, $0xF7A;
	s5 =	simm.s32 @!p2 $0x0  }
0x1d: {  	s5 =	simm.s32 @p1 $0x1;
	p0 =	seq.s32 s7, s2  }
0x1e: {  	s7 =	smul.u32 @!p0 $0xF7A, s2;
	p2 =	seq.s32 @!p0 s5, $0x0  }
0x1f: {  	s9 =	smul.u32 $0xF7A, s1;
	s8 =	simm.s32 @!p0 $0x1BF5;
	p2 =	por !p2, p0  }
0x20: {  	[sflag:s8] =	ssyncset.s32 @!p0 $0xFFFFF086;
	s6 =	sadd.s32 @!p0 s3, s7;
	s7 =	simm.s32 @!p0 $0x108  }
0x21: {  	s3 =	sadd.s32 s3, s9;
	s6 =	sadd.s32 @!p0 $0x88, s6;
	s7 =	simm.s32 @p2 $0x1082  }
0x22: {  	[simem:s7], [sflag:s8] =	dma.local @!p0 [hbm:s6], $0xF7A  }
0x23: {  	s9 =	sor.u32 $0xD0000000, s2;
	s6 =	simm.s32 $0x108;
	_ =	swait.ge @!p0 [sflag:s8], $0x0  }
0x24: {  	s3 =	sadd.s32 $0x88, s3;
	s6 =	simm.s32 @!p1 $0x1082;
	[sflag:s4] =	ssyncset.s32 $0xFFFFF086  }
0x25: {  	[simem:s6], [sflag:s4] =	dma.local [hbm:s3], $0xF7A  }
0x26: {  	[smem:$0x3F9F] =	sst s1;
	(tag) =	ssettag s2;
	_ =	strace s9  }
0x27: {  	s1 =	sld [smem:$0x3FAF]  }
0x28: {  	s2 =	sld [smem:$0x3FB0]  }
0x29: {  	s4 =	sld [smem:$0x3FB2]  }
0x2a: {  	p0 =	seq.s32 s5, $0x0;
	s5 =	sld [smem:$0x3FB3]  }
0x2b: {  	s6 =	sld [smem:$0x3FB4]  }
0x2c: {  	s7 =	sld [smem:$0x3FB5]  }
0x2d: {  	s3 =	simm.s32 $0x108;
	s8 =	sld [smem:$0x3FB6]  }
0x2e: {  	s3 =	simm.s32 @!p0 $0x1082;
	s9 =	sld [smem:$0x3FB7]  }
0x2f: {  	lr =	sadd.s32 s0, s3;
	s0 =	sld [smem:$0x3FAE]  }
0x30: {  	s3 =	sld [smem:$0x3FB1]  }
0x31: {  	[smem:$0x3FBA] =	sst s10  }
0x32: {  	s10 =	sld [smem:$0x3FB8];
	_ =	sdelay $0x3  }
0x33: {  	p0 =	seq.s32 s10, $0x1;
	s10 =	sld [smem:$0x3FBA];
	_ =	sdelay $0x3  }
0x34: {  	[smem:$0x3FBA] =	sst s10  }
0x35: {  	s10 =	sld [smem:$0x3FB9];
	_ =	sdelay $0x3  }
0x36: {  	p1 =	seq.s32 s10, $0x1;
	s10 =	sld [smem:$0x3FBA];
	_ =	sdelay $0x3  }
0x37: {  	[smem:$0x3FBA] =	sst s10  }
0x38: {  	s10 =	sld [smem:$0x3FBB]  }
0x39: {  	_ = 	snop;
	(pc) =	sbr.ind lr, $3  }
0x3a: {  	_ = 	snop  }
0x3b: {  	_ = 	snop  }
0x3c: {  	p2 =	seq.s32 s10, $0x1;
	s10 =	sld [smem:$0x3FBA]  }
0x3d: {  	_ =	shalt  }
0x3e: {  	_ =	shalt  }
0x3f: {  	_ =	shalt  }
0x40: {  	_ =	shalt  }
0x41: {  	_ =	shalt  }
0x42: {  	_ =	shalt  }
0x43: {  	_ =	shalt  }
0x44: {  	_ =	shalt  }
0x45: {  	_ =	shalt  }
0x46: {  	_ =	shalt  }
0x47: {  	_ =	shalt  }
0x48: {  	_ =	shalt  }
0x49: {  	_ =	shalt  }
0x4a: {  	_ =	shalt  }
0x4b: {  	_ =	shalt  }
0x4c: {  	_ =	shalt  }
0x4d: {  	_ =	shalt  }
0x4e: {  	_ =	shalt  }
0x4f: {  	_ =	shalt  }
0x50: {  	_ =	shalt  }
0x51: {  	_ =	shalt  }
0x52: {  	_ =	shalt  }
0x53: {  	_ =	shalt  }
0x54: {  	_ =	shalt  }
0x55: {  	_ =	shalt  }
0x56: {  	_ =	shalt  }
0x57: {  	_ =	shalt  }
0x58: {  	_ =	shalt  }
0x59: {  	_ =	shalt  }
0x5a: {  	_ =	shalt  }
0x5b: {  	_ =	shalt  }
0x5c: {  	_ =	shalt  }
0x5d: {  	_ =	shalt  }
0x5e: {  	_ =	shalt  }
0x5f: {  	_ =	shalt  }
0x60: {  	_ =	shalt  }
0x61: {  	_ =	shalt  }
0x62: {  	_ =	shalt  }
0x63: {  	_ =	shalt  }
0x64: {  	_ =	shalt  }
0x65: {  	_ =	shalt  }
0x66: {  	_ =	shalt  }
0x67: {  	_ =	shalt  }
0x68: {  	_ =	shalt  }
0x69: {  	_ =	shalt  }
0x6a: {  	_ =	shalt  }
0x6b: {  	_ =	shalt  }
0x6c: {  	_ =	shalt  }
0x6d: {  	_ =	shalt  }
0x6e: {  	_ =	shalt  }
0x6f: {  	_ =	shalt  }
0x70: {  	_ =	shalt  }
0x71: {  	_ =	shalt  }
0x72: {  	_ =	shalt  }
0x73: {  	_ =	shalt  }
0x74: {  	_ =	shalt  }
0x75: {  	_ =	shalt  }
0x76: {  	_ =	shalt  }
0x77: {  	_ =	shalt  }
0x78: {  	_ =	shalt  }
0x79: {  	_ =	shalt  }
0x7a: {  	_ =	shalt  }
0x7b: {  	_ =	shalt  }
0x7c: {  	_ =	shalt  }
0x7d: {  	_ =	shalt  }
0x7e: {  	_ =	shalt  }
0x7f: {  	_ =	shalt  }
0x80: {  	_ =	shalt  }
0x81: {  	_ =	shalt  }
0x82: {  	_ =	shalt  }
0x83: {  	_ =	shalt  }
0x84: {  	_ =	shalt  }
0x85: {  	_ =	shalt  }
0x86: {  	_ =	shalt  }
0x87: {  	_ =	shalt  }
.Lfunc_end0:
.L_simem_size_0:
called_computation_lowered:
.L_overlay_start_0:
0x88: {  	s2 =	sld [smem:$0x3FD9]  }
0x89: {  	s3 =	sld [smem:$0x3FFE];
	_ =	sdelay $0x1  }
0x8a: {  	s1 =	srdreg.scid  }
0x8b: {  	s0 =	sand.u32 $0x1, s1  }
0x8c: {  	s17 =	sshll.u32 s0, $0xA;
	s2 =	sadd.s32 s3, s2  }
0x8d: {  	s2 =	sadd.s32 s2, s17  }
0x8e: {  	[smem:$0x3FC6] =	sst s2  }
0x8f: {  	_ = 	snop  }
0x90: {  	s2 =	sld [smem:$0x3FC9]  }
0x91: {  	s18 =	sld [smem:$0x3FC8]  }
0x92: {  	s4 =	sld [smem:$0x3FD0];
	(tm) =	ssettm $0x1  }
0x93: {  	s5 =	sld [smem:$0x3FFB];
	_ =	sdelay $0x3  }
0x94: {  	_ =	strace s5  }
0x95: {  	s5 =	sld [smem:$0x3FFC];
	_ =	sdelay $0x3  }
0x96: {  	_ =	strace s5  }
0x97: {  	s5 =	sld [smem:$0x3FFD];
	_ =	sdelay $0x3  }
0x98: {  	_ =	strace s5  }
0x99: {  	_ =	strace $0x8FFFFFFF  }
0x9a: {  	s19 =	sld [smem:$0x3FDB];
	_ =	sdelay $0x1  }
0x9b: {  	s6 =	simm.s32 $_scs_section_size  }
0x9c: {  	s7 =	simm.s32 $_size__tile_overlayer_lowered;
	s8 =	simm.s32 $_tile_overlayer_lowered  }
0x9d: {  	s22 =	simm.s32 $0x1BFF;
	s21 =	sshll.u32 s8, $0x1;
	s5 =	sadd.s32 s6, s19  }
0x9e: {  	s9 =	simm.s32 $0x0;
	s20 =	sshll.u32 s7, $0x1;
	s7 =	sadd.s32 s21, s5  }
0x9f: {  	[timem:s9], [sflag:s22] =	dma.local [hbm:s7], s20  }
0xa0: {  	_ =	swait.ge [sflag:s22], s20  }
0xa1: {  	s6 =	ssub.s32 $0x0, s20;
	[sflag:s22] =	ssyncset.done $0x0  }
0xa2: {  	[sflag:s22] =	ssyncadd.s32 s6;
	_ =	sdelay $0x1  }
0xa3: {  	s23 =	simm.s32 $0x1B8B  }
0xa4: {  	_ =	swait.ge [sflag:s23], $0x1  }
0xa5: {  	[sflag:s23] =	ssyncset.done $0x0  }
0xa6: {  	s25 =	simm.s32 $0x1B8E;
	s24 =	sld [smem:$0x3FFE];
	[sflag:s23] =	ssyncadd.s32 $0xFFFFFFFF  }
0xa7: {  	s26 =	simm.s32 $execute0_lowered;
	[smem:$0x3FD2] =	sst s25  }
0xa8: {  	s7 =	sshll.u32 s26, $0x1;
	_ =	strace $0x80000046;
	[dreg:$0x1] =	wrdreg $0xFFFFFFFF  }
0xa9: {  	s28 =	simm.s32 $_size_execute0_lowered;
	s5 =	sadd.s32 s5, s7;
	[dreg:$0x0] =	wrdreg $0x0  }
0xaa: {  	s7 =	sshll.u32 s28, $0x1;
	[dreg:$0x2] =	wrdreg s5  }
0xab: {  	[dreg:$0x3] =	wrdreg s7  }
0xac: {  	[dreg:$0x4] =	wrdreg $0xC0  }
0xad: {  	_ =	task [dreg:s9], $0x5FFFF  }
0xae: {  	[dreg:$0x1] =	wrdreg $0xFFFFFFFF  }
0xaf: {  	[dreg:$0x0] =	wrdreg $0x60  }
0xb0: {  	[dreg:$0x2] =	wrdreg s2  }
0xb1: {  	[dreg:$0x3] =	wrdreg s18  }
0xb2: {  	[dreg:$0x4] =	wrdreg s24  }
0xb3: {  	[dreg:$0x5] =	wrdreg s4  }
0xb4: {  	[dreg:$0x6] =	wrdreg $0x9  }
0xb5: {  	_ =	task.clear_ibuf [dreg:s9], $0x7FFFF;
	_ =	strace $0x90000046  }
0xb6: {  	s29 =	simm.s32 $0x9;
	_ =	strace $0x80000048  }
0xb7: {  	_ =	swait.ge [sflag:s29], $0x1  }
0xb8: {  	[sflag:s29] =	ssyncadd.s32 $0xFFFFFFFF  }
0xb9: {  	_ =	strace $0x90000048  }
0xba: {  	_ =	sfence  }
0xbb: {  	s30 =	sld [smem:$0x0];
	_ =	sdelay $0x2  }
0xbc: {  	s31 =	sshll.u32 s1, $0xD;
	s1 =	sshrl.u32 s1, $0x2  }
0xbd: {  	s3 =	sand.u32 $0x4000, s31;
	s1 =	sadd.s32 s1, s30  }
0xbe: {  	s0 =	sor.u32 s3, s0;
	s1 =	sshll.u32 s1, $0x11  }
0xbf: {  	s0 =	sor.u32 s1, s0  }
0xc0: {  	s0 =	sadd.s32 $0x8F2B, s0  }
0xc1: {  	[sflag:s0] =	ssyncadd.remote.s32 $0x1  }
0xc2: {  	_ =	sfence.sel $0xFFFF  }
0xc3: {  	[dreg:$0x0] =	wrdreg $0xFFFFFFFF;
	(pc) =	sbr.abs _section_cstart, $3  }
0xc4: {  	[dreg:$0x1] =	wrdreg $0xFFFFFFFF  }
0xc5: {  	_ =	task.clear_ibuf [dreg:s9], $0x2FFFF;
	_ =	strace $0x9FFFFFFF  }
0xc6: {  	(tm) =	ssettm $0x7FFFFFFF  }
0xc7: {  	_ =	shalt  }
tec
execute0_lowered:
.L_overlay_start_1:
0x0: {  	(tag) =	ssettag $0x1  }
0x1: {  	s0 =	rddreg [dreg:$0x0]  }
0x2: {  	s2 =	srdreg.scid;
	s1 =	rddreg [dreg:$0x1]  }
0x3: {  	s4 =	stileid.u32;
	s3 =	rddreg [dreg:$0x2];
	s2 =	sand.u32 $0x1, s2  }
0x4: {  	s5 =	simm.s32 $0x0;
	s4 =	sshll.u32 s4, $0x7;
	s6 =	sshll.u32 s2, $0x6  }
0x5: {  	[smem:$0x7FF] =	sst s5;
	s2 =	ssub.s32 $0x2, s2;
	s4 =	sor.u32 s6, s4  }
0x6: {  	s28 =	sshrl.u32 s2, $0x1;
	s7 =	sshrl.u32 s4, $0x3;
	s8 =	sshll.u32 s4, $0x2  }
0x7: {  	s2 =	ssub.s32 s2, s28;
	s7 =	smul.u32 $0x300, s7;
	s9 =	sand.u32 $0x1E00, s8  }
0x8: {  	_ =	strace $0x80000047;
	s31 =	smax.u32 s2, $0x1;
	s26 =	sor.u32 s6, s9  }
0x9: {  	s6 =	sor.u32 s6, s8;
	s3 =	sadd.s32 s7, s3;
	s7 =	sshrl.u32 s26, $0x3  }
0xa: {  	[dreg:$0xb] =	wrdreg s31;
	s6 =	sshrl.u32 s6, $0x3;
	s7 =	sadd.s32 s0, s7  }
.Ltmp0:
0xb: {  	s30 =	sadd.s32 $0x400, s3;
	[dreg:$0x6] =	wrdreg s7;
	(pc) =	sbr.rel .LBB2_1-.Ltmp0, $4  }
0xc: {  	s29 =	sor.u32 $0x20, s6;
	s7 =	sadd.s32 $0x10, s7;
	[dreg:$0xa] =	wrdreg s30  }
0xd: {  	v2 =	vlaneseq.u32;
	s6 =	sor.u32 $0x30, s6;
	[dreg:$0x7] =	wrdreg s7;
	s7 =	sadd.s32 s0, s29  }
0xe: {  	vm0 =	vmmov $0xffff;
	s11 =	sadd.s32 $0x100, s1;
	v1 =	vshrl.u32 v2, $0x3;
	s0 =	sadd.s32 s0, s6;
	[dreg:$0x8] =	wrdreg s7  }
0xf: {  	s12 =	sadd.s32 $0x200, s1;
	v0 =	vand.u32 $0x7, v2;
	v2 =	vor.u32 $0x8, v2;
	v1 =	vmul.u32 $0x8, v1;
	s3 =	simm.s32 $0x0;
	[dreg:$0x9] =	wrdreg s0  }
.LBB2_7:
0x10: {  	s0 =	simm.s32 $0x6  }
0x11: {  	_ =	swait.ge [sflag:s0], $0x6000  }
0x12: {  	[sflag:s0] =	ssyncset.done $0x0  }
0x13: {  	s30 =	simm.s32 $0x4;
	[sflag:s0] =	ssyncadd.s32 $0xFFFFA000  }
0x14: {  	_ =	swait.ge [sflag:s30], $0x6000  }
0x15: {  	[sflag:s30] =	ssyncset.done $0x0  }
0x16: {  	s2 =	simm.s32 $0x5;
	[sflag:s30] =	ssyncadd.s32 $0xFFFFA000  }
0x17: {  	_ =	swait.ge [sflag:s2], $0x6000  }
0x18: {  	s3 =	rddreg [dreg:$0xc]  }
0x19: {  	s31 =	rddreg [dreg:$0xb];
	s3 =	sadd.s32 $0x1, s3  }
0x1a: {  	p0 =	sne.s32 s3, s31  }
.Ltmp1:
0x1b: {  	_ = 	snop;
	(pc) =	sbr.rel @!p0 .LBB2_8-.Ltmp1, $3  }
0x1c: {  	_ =	sdelay $0x1  }
0x1d: {  	[sflag:s2] =	ssyncset.done $0x0  }
0x1e: {  	[sflag:s2] =	ssyncadd.s32 $0xFFFFA000  }
.LBB2_1:
0x1f: {  	[dreg:$0xc] =	wrdreg s3  }
0x20: {  	s0 =	rddreg [dreg:$0x6]  }
0x21: {  	[tilespmem:s5], [sflag:$0x8] =	stream.linear.gather [hbm4b:s0+s5], $0x40, $0x38;
	[tilespmem:$0x1E200] =	vst v63  }
0x22: {  	s10 =	rddreg [dreg:$0x7];
	s2 =	simm.s32 $0x80  }
0x23: {  	[tilespmem:s2], [sflag:$0x8] =	stream.linear.gather [hbm4b:s10+s5], $0x40, $0x38;
	[tilespmem:$0x1E200] =	vst v63  }
0x24: {  	s13 =	rddreg [dreg:$0x8];
	s14 =	simm.s32 $0x100  }
0x25: {  	[tilespmem:s14], [sflag:$0x8] =	stream.linear.gather [hbm4b:s13+s5], $0x40, $0x38;
	[tilespmem:$0x1E200] =	vst v63  }
0x26: {  	s15 =	rddreg [dreg:$0x9];
	s16 =	simm.s32 $0x180  }
0x27: {  	[tilespmem:s16], [sflag:$0x8] =	stream.linear.gather [hbm4b:s15+s5], $0x40, $0x38;
	[tilespmem:$0x1E200] =	vst v63  }
0x28: {  	s17 =	rddreg [dreg:$0xa];
	s18 =	simm.s32 $0x200;
	s19 =	simm.s32 $0x8  }
0x29: {  	[tilespmem:s18], [sflag:$0x7] =	stream.linear.gather [hbm4b:s17+s5], $0xC000, $0x38;
	[tilespmem:$0x1E200] =	vst v63  }
0x2a: {  	_ =	swait.ge [sflag:s19], $0x40  }
0x2b: {  	[sflag:s19] =	ssyncset.done $0x0  }
0x2c: {  	[sflag:s19] =	ssyncadd.s32 $0xFFFFFFC0  }
0x2d: {  	_ =	swait.ge [sflag:s19], $0x40  }
0x2e: {  	[sflag:s19] =	ssyncset.done $0x0  }
0x2f: {  	[sflag:s19] =	ssyncadd.s32 $0xFFFFFFC0  }
0x30: {  	_ =	swait.ge [sflag:s19], $0x40  }
0x31: {  	[sflag:s19] =	ssyncset.done $0x0  }
0x32: {  	[sflag:s19] =	ssyncadd.s32 $0xFFFFFFC0  }
0x33: {  	_ =	swait.ge [sflag:s19], $0x40  }
0x34: {  	[sflag:s19] =	ssyncset.done $0x0  }
0x35: {  	[sflag:s19] =	ssyncadd.s32 $0xFFFFFFC0  }
0x36: {  	v3 =	vld [tilespmem:$0x0];
	_ =	sdelay $0x4  }
0x37: {  	v4 =	vshrl.u32 v3, $0x3  }
0x38: {  	v4 =	vmul.u32 $0x30, v4  }
0x39: {  	v3 =	vand.u32 $0x7, v3  }
0x3a: {  	v3 =	vor.u32 v3, v4  }
0x3b: {  	v4 =	vperm.xlane v3, v0;
	_ =	sdelay $0x1  }
0x3c: {  	v4 =	vadd.s32 v1, v4;
	_ =	sdelay $0x3  }
0x3d: {  	s20 =	simm.s32 $0xC200;
	v3 =	vperm.xlane v3, v2  }
0x3e: {  	[tilespmem:s20], [sflag:$0x1] =	stream.indirect_vreg.gather [hbm4b:s1+s5], $0x80, v4, vm0, $0xb8;
	[tilespmem:$0x1E200] =	vst v63  }
0x3f: {  	s21 =	simm.s32 $0xCA00;
	v3 =	vadd.s32 v1, v3  }
0x40: {  	[tilespmem:s21], [sflag:$0x1] =	stream.indirect_vreg.gather [hbm4b:s11+s5], $0x80, v4, vm0, $0xb8;
	[tilespmem:$0x1E200] =	vst v63  }
0x41: {  	s22 =	simm.s32 $0xD200  }
0x42: {  	[tilespmem:s22], [sflag:$0x1] =	stream.indirect_vreg.gather [hbm4b:s12+s5], $0x80, v4, vm0, $0xb8;
	[tilespmem:$0x1E200] =	vst v63  }
0x43: {  	s23 =	simm.s32 $0xDA00  }
0x44: {  	[tilespmem:s23], [sflag:$0x1] =	stream.indirect_vreg.gather [hbm4b:s1+s5], $0x80, v3, vm0, $0xb8;
	[tilespmem:$0x1E200] =	vst v63  }
0x45: {  	s24 =	simm.s32 $0xE200  }
0x46: {  	[tilespmem:s24], [sflag:$0x1] =	stream.indirect_vreg.gather [hbm4b:s11+s5], $0x80, v3, vm0, $0xb8;
	[tilespmem:$0x1E200] =	vst v63  }
0x47: {  	s25 =	simm.s32 $0xEA00  }
0x48: {  	[tilespmem:s25], [sflag:$0x1] =	stream.indirect_vreg.gather [hbm4b:s12+s5], $0x80, v3, vm0, $0xb8;
	[tilespmem:$0x1E200] =	vst v63  }
0x49: {  	v3 =	vld [tilespmem:$0x10];
	_ =	sdelay $0x4  }
0x4a: {  	v59 =	vshrl.u32 v3, $0x3  }
0x4b: {  	v4 =	vmul.u32 $0x30, v59  }
0x4c: {  	v3 =	vand.u32 $0x7, v3  }
0x4d: {  	v3 =	vor.u32 v3, v4  }
0x4e: {  	v4 =	vperm.xlane v3, v0;
	_ =	sdelay $0x1  }
0x4f: {  	v4 =	vadd.s32 v1, v4;
	_ =	sdelay $0x3  }
0x50: {  	s26 =	simm.s32 $0xF200;
	v3 =	vperm.xlane v3, v2  }
0x51: {  	[tilespmem:s26], [sflag:$0x1] =	stream.indirect_vreg.gather [hbm4b:s1+s5], $0x80, v4, vm0, $0xb8;
	[tilespmem:$0x1E200] =	vst v63  }
0x52: {  	s28 =	simm.s32 $0xFA00;
	v3 =	vadd.s32 v1, v3  }
0x53: {  	[tilespmem:s28], [sflag:$0x1] =	stream.indirect_vreg.gather [hbm4b:s11+s5], $0x80, v4, vm0, $0xb8;
	[tilespmem:$0x1E200] =	vst v63  }
0x54: {  	s29 =	simm.s32 $0x10200  }
0x55: {  	[tilespmem:s29], [sflag:$0x1] =	stream.indirect_vreg.gather [hbm4b:s12+s5], $0x80, v4, vm0, $0xb8;
	[tilespmem:$0x1E200] =	vst v63  }
0x56: {  	s30 =	simm.s32 $0x10A00  }
0x57: {  	[tilespmem:s30], [sflag:$0x1] =	stream.indirect_vreg.gather [hbm4b:s1+s5], $0x80, v3, vm0, $0xb8;
	[tilespmem:$0x1E200] =	vst v63  }
0x58: {  	s31 =	simm.s32 $0x11200  }
0x59: {  	[tilespmem:s31], [sflag:$0x1] =	stream.indirect_vreg.gather [hbm4b:s11+s5], $0x80, v3, vm0, $0xb8;
	[tilespmem:$0x1E200] =	vst v63  }
0x5a: {  	s2 =	simm.s32 $0x11A00  }
0x5b: {  	[tilespmem:s2], [sflag:$0x1] =	stream.indirect_vreg.gather [hbm4b:s12+s5], $0x80, v3, vm0, $0xb8;
	[tilespmem:$0x1E200] =	vst v63  }
0x5c: {  	v3 =	vld [tilespmem:$0x20];
	_ =	sdelay $0x4  }
0x5d: {  	v60 =	vshrl.u32 v3, $0x3  }
0x5e: {  	v4 =	vmul.u32 $0x30, v60  }
0x5f: {  	v3 =	vand.u32 $0x7, v3  }
0x60: {  	v3 =	vor.u32 v3, v4  }
0x61: {  	v4 =	vperm.xlane v3, v0;
	_ =	sdelay $0x1  }
0x62: {  	v4 =	vadd.s32 v1, v4;
	_ =	sdelay $0x3  }
0x63: {  	s3 =	simm.s32 $0x12200;
	v3 =	vperm.xlane v3, v2  }
0x64: {  	[tilespmem:s3], [sflag:$0x2] =	stream.indirect_vreg.gather [hbm4b:s1+s5], $0x80, v4, vm0, $0xb8;
	[tilespmem:$0x1E200] =	vst v63  }
0x65: {  	s6 =	simm.s32 $0x12A00;
	v3 =	vadd.s32 v1, v3  }
0x66: {  	[tilespmem:s6], [sflag:$0x2] =	stream.indirect_vreg.gather [hbm4b:s11+s5], $0x80, v4, vm0, $0xb8;
	[tilespmem:$0x1E200] =	vst v63  }
0x67: {  	s7 =	simm.s32 $0x13200  }
0x68: {  	[tilespmem:s7], [sflag:$0x2] =	stream.indirect_vreg.gather [hbm4b:s12+s5], $0x80, v4, vm0, $0xb8;
	[tilespmem:$0x1E200] =	vst v63  }
0x69: {  	s8 =	simm.s32 $0x13A00  }
0x6a: {  	[tilespmem:s8], [sflag:$0x2] =	stream.indirect_vreg.gather [hbm4b:s1+s5], $0x80, v3, vm0, $0xb8;
	[tilespmem:$0x1E200] =	vst v63  }
0x6b: {  	s9 =	simm.s32 $0x14200  }
0x6c: {  	[tilespmem:s9], [sflag:$0x2] =	stream.indirect_vreg.gather [hbm4b:s11+s5], $0x80, v3, vm0, $0xb8;
	[tilespmem:$0x1E200] =	vst v63  }
0x6d: {  	s10 =	simm.s32 $0x14A00  }
0x6e: {  	[tilespmem:s10], [sflag:$0x2] =	stream.indirect_vreg.gather [hbm4b:s12+s5], $0x80, v3, vm0, $0xb8;
	[tilespmem:$0x1E200] =	vst v63  }
0x6f: {  	v3 =	vld [tilespmem:$0x30];
	_ =	sdelay $0x4  }
0x70: {  	v61 =	vshrl.u32 v3, $0x3  }
0x71: {  	v4 =	vmul.u32 $0x30, v61  }
0x72: {  	v3 =	vand.u32 $0x7, v3  }
0x73: {  	v3 =	vor.u32 v3, v4  }
0x74: {  	v4 =	vperm.xlane v3, v0;
	_ =	sdelay $0x1  }
0x75: {  	v4 =	vadd.s32 v1, v4;
	_ =	sdelay $0x3  }
0x76: {  	s13 =	simm.s32 $0x15200;
	v3 =	vperm.xlane v3, v2  }
0x77: {  	[tilespmem:s13], [sflag:$0x2] =	stream.indirect_vreg.gather [hbm4b:s1+s5], $0x80, v4, vm0, $0xb8;
	[tilespmem:$0x1E200] =	vst v63  }
0x78: {  	s14 =	simm.s32 $0x15A00;
	v3 =	vadd.s32 v1, v3  }
0x79: {  	[tilespmem:s14], [sflag:$0x2] =	stream.indirect_vreg.gather [hbm4b:s11+s5], $0x80, v4, vm0, $0xb8;
	[tilespmem:$0x1E200] =	vst v63  }
0x7a: {  	s15 =	simm.s32 $0x16200  }
0x7b: {  	[tilespmem:s15], [sflag:$0x2] =	stream.indirect_vreg.gather [hbm4b:s12+s5], $0x80, v4, vm0, $0xb8;
	[tilespmem:$0x1E200] =	vst v63  }
0x7c: {  	s16 =	simm.s32 $0x16A00  }
0x7d: {  	[tilespmem:s16], [sflag:$0x2] =	stream.indirect_vreg.gather [hbm4b:s1+s5], $0x80, v3, vm0, $0xb8;
	[tilespmem:$0x1E200] =	vst v63  }
0x7e: {  	s17 =	simm.s32 $0x17200  }
0x7f: {  	[tilespmem:s17], [sflag:$0x2] =	stream.indirect_vreg.gather [hbm4b:s11+s5], $0x80, v3, vm0, $0xb8;
	[tilespmem:$0x1E200] =	vst v63  }
0x80: {  	s18 =	simm.s32 $0x17A00  }
0x81: {  	[tilespmem:s18], [sflag:$0x2] =	stream.indirect_vreg.gather [hbm4b:s12+s5], $0x80, v3, vm0, $0xb8;
	[tilespmem:$0x1E200] =	vst v63  }
0x82: {  	v3 =	vld [tilespmem:$0x80];
	_ =	sdelay $0x4  }
0x83: {  	v62 =	vshrl.u32 v3, $0x3  }
0x84: {  	v4 =	vmul.u32 $0x30, v62  }
0x85: {  	v3 =	vand.u32 $0x7, v3  }
0x86: {  	v3 =	vor.u32 v3, v4  }
0x87: {  	v4 =	vperm.xlane v3, v0;
	_ =	sdelay $0x1  }
0x88: {  	v4 =	vadd.s32 v1, v4;
	_ =	sdelay $0x3  }
0x89: {  	s19 =	simm.s32 $0x18200;
	v3 =	vperm.xlane v3, v2  }
0x8a: {  	[tilespmem:s19], [sflag:$0x3] =	stream.indirect_vreg.gather [hbm4b:s1+s5], $0x80, v4, vm0, $0xb8;
	[tilespmem:$0x1E200] =	vst v63  }
0x8b: {  	s20 =	simm.s32 $0x18A00;
	v3 =	vadd.s32 v1, v3  }
0x8c: {  	[tilespmem:s20], [sflag:$0x3] =	stream.indirect_vreg.gather [hbm4b:s11+s5], $0x80, v4, vm0, $0xb8;
	[tilespmem:$0x1E200] =	vst v63  }
0x8d: {  	s21 =	simm.s32 $0x19200  }
0x8e: {  	[tilespmem:s21], [sflag:$0x3] =	stream.indirect_vreg.gather [hbm4b:s12+s5], $0x80, v4, vm0, $0xb8;
	[tilespmem:$0x1E200] =	vst v63  }
0x8f: {  	s22 =	simm.s32 $0x19A00  }
0x90: {  	[tilespmem:s22], [sflag:$0x3] =	stream.indirect_vreg.gather [hbm4b:s1+s5], $0x80, v3, vm0, $0xb8;
	[tilespmem:$0x1E200] =	vst v63  }
0x91: {  	s23 =	simm.s32 $0x1A200  }
0x92: {  	[tilespmem:s23], [sflag:$0x3] =	stream.indirect_vreg.gather [hbm4b:s11+s5], $0x80, v3, vm0, $0xb8;
	[tilespmem:$0x1E200] =	vst v63  }
0x93: {  	s24 =	simm.s32 $0x1AA00  }
0x94: {  	[tilespmem:s24], [sflag:$0x3] =	stream.indirect_vreg.gather [hbm4b:s12+s5], $0x80, v3, vm0, $0xb8;
	[tilespmem:$0x1E200] =	vst v63  }
0x95: {  	v3 =	vld [tilespmem:$0x90];
	_ =	sdelay $0x4  }
0x96: {  	v63 =	vshrl.u32 v3, $0x3  }
0x97: {  	v4 =	vmul.u32 $0x30, v63  }
0x98: {  	v3 =	vand.u32 $0x7, v3  }
0x99: {  	v3 =	vor.u32 v3, v4  }
0x9a: {  	v4 =	vperm.xlane v3, v0;
	_ =	sdelay $0x1  }
0x9b: {  	v4 =	vadd.s32 v1, v4;
	_ =	sdelay $0x3  }
0x9c: {  	s25 =	simm.s32 $0x1B200;
	v3 =	vperm.xlane v3, v2  }
0x9d: {  	[tilespmem:s25], [sflag:$0x3] =	stream.indirect_vreg.gather [hbm4b:s1+s5], $0x80, v4, vm0, $0xb8;
	[tilespmem:$0x1E200] =	vst v63  }
0x9e: {  	s26 =	simm.s32 $0x1BA00;
	v3 =	vadd.s32 v1, v3  }
0x9f: {  	[tilespmem:s26], [sflag:$0x3] =	stream.indirect_vreg.gather [hbm4b:s11+s5], $0x80, v4, vm0, $0xb8;
	[tilespmem:$0x1E200] =	vst v63  }
0xa0: {  	s28 =	simm.s32 $0x1C200  }
0xa1: {  	[tilespmem:s28], [sflag:$0x3] =	stream.indirect_vreg.gather [hbm4b:s12+s5], $0x80, v4, vm0, $0xb8;
	[tilespmem:$0x1E200] =	vst v63  }
0xa2: {  	s29 =	simm.s32 $0x1CA00  }
0xa3: {  	[tilespmem:s29], [sflag:$0x3] =	stream.indirect_vreg.gather [hbm4b:s1+s5], $0x80, v3, vm0, $0xb8;
	[tilespmem:$0x1E200] =	vst v63  }
.Ltmp2:
0xa4: {  	_ = 	snop;
	(pc) =	sbr.rel .LBB2_2-.Ltmp2, $4  }
0xa5: {  	s30 =	simm.s32 $0x1D200  }
0xa6: {  	[tilespmem:s30], [sflag:$0x3] =	stream.indirect_vreg.gather [hbm4b:s11+s5], $0x80, v3, vm0, $0xb8;
	[tilespmem:$0x1E200] =	vst v63  }
0xa7: {  	p0 =	por $0x0, $0x0;
	s31 =	simm.s32 $0x1DA00;
	s23 =	simm.s32 $0x0  }
0xa8: {  	[tilespmem:s31], [sflag:$0x3] =	stream.indirect_vreg.gather [hbm4b:s12+s5], $0x80, v3, vm0, $0xb8;
	[tilespmem:$0x1E200] =	vst v63  }
.LBB2_6:
0xa9: {  	s23 =	sadd.s32 $0x1, s23  }
0xaa: {  	p1 =	sne.s32 s23, $0x8  }
.Ltmp3:
0xab: {  	_ = 	snop;
	(pc) =	sbr.rel @!p1 .LBB2_7-.Ltmp3, $2  }
0xac: {  	_ =	sdelay $0x2  }
0xad: {  	p0 =	por !p0, !p0  }
.LBB2_2:
0xae: {  	s0 =	smul.u32 $0xAB, s23;
	_ =	sdelay $0x1  }
0xaf: {  	s0 =	sshrl.u32 s0, $0x9  }
0xb0: {  	s0 =	sand.u32 $0x7F, s0  }
0xb1: {  	s0 =	smul.u32 $0x3, s0  }
0xb2: {  	s2 =	simm.s32 $0x1  }
0xb3: {  	s2 =	simm.s32 @!p0 $0x0;
	s0 =	ssub.s32 s23, s0  }
0xb4: {  	s2 =	sshll.u32 s2, $0x5;
	s24 =	sand.u32 $0xFF, s0  }
0xb5: {  	[dreg:$0x5] =	wrdreg s2;
	s0 =	sadd.s32 $0x1, s24  }
0xb6: {  	_ =	swait.ge [sflag:s0], $0x6000  }
0xb7: {  	p1 =	sne.s32 s23, $0x0;
	[sflag:s0] =	ssyncset.done $0x0  }
0xb8: {  	s3 =	simm.s32 @!p1 $0x7;
	[sflag:s0] =	ssyncadd.s32 $0xFFFFA000  }
0xb9: {  	_ =	swait.ge @!p1 [sflag:s3], $0xC000  }
0xba: {  	s13 =	rddreg [dreg:$0x5]  }
0xbb: {  	s0 =	sadd.s32 $0x0, s13  }
0xbc: {  	s0 =	sshrl.u32 s0, $0x3  }
0xbd: {  	s0 =	smul.u32 $0x6000, s0  }
0xbe: {  	s14 =	simm.s32 $0x0  }
0xbf: {  	s6 =	simm.s32 $0x0;
	s8 =	sshra.s32 s0, $0x2;
	s0 =	sand.u32 $0x300, s14  }
0xc0: {  	[sflag:s3] =	ssyncset.done @!p1 $0x0;
	s7 =	sor.u32 $0x200, s8;
	s2 =	sor.u32 $0x80, s0  }
0xc1: {  	s6 =	smul.u32 $0x6000, s6;
	[sflag:s3] =	ssyncadd.s32 @!p1 $0xFFFF4000;
	s15 =	sadd.s32 s2, s7  }
0xc2: {  	s25 =	smul.u32 $0x6000, s24;
	s16 =	sadd.s32 s0, s7;
	v3 =	vld [tilespmem:s15+$0x0]  }
0xc3: {  	s9 =	sshra.s32 s6, $0x2;
	v4 =	vld [tilespmem:s16+$0x0]  }
0xc4: {  	s7 =	sadd.s32 s25, s9  }
0xc5: {  	s9 =	sadd.s32 $0xC200, s7  }
0xc6: {  	s10 =	sadd.s32 s2, s9  }
0xc7: {  	s9 =	sadd.s32 s0, s9;
	[tilespmem:s10+$0x0] =	vst.add.f32.msk $0xffff, v3  }
0xc8: {  	[tilespmem:s9+$0x0] =	vst.add.f32.msk $0xffff, v4  }
0xc9: {  	v3 =	vld [tilespmem:s15+$0x10]  }
0xca: {  	v4 =	vld [tilespmem:s16+$0x10];
	_ =	sdelay $0x3  }
0xcb: {  	[tilespmem:s10+$0x10] =	vst.add.f32.msk $0xffff, v3  }
0xcc: {  	[tilespmem:s9+$0x10] =	vst.add.f32.msk $0xffff, v4  }
0xcd: {  	v3 =	vld [tilespmem:s15+$0x20]  }
0xce: {  	v4 =	vld [tilespmem:s16+$0x20];
	_ =	sdelay $0x3  }
0xcf: {  	[tilespmem:s10+$0x20] =	vst.add.f32.msk $0xffff, v3  }
0xd0: {  	[tilespmem:s9+$0x20] =	vst.add.f32.msk $0xffff, v4  }
0xd1: {  	v3 =	vld [tilespmem:s15+$0x30]  }
0xd2: {  	v4 =	vld [tilespmem:s16+$0x30];
	_ =	sdelay $0x3  }
0xd3: {  	[tilespmem:s10+$0x30] =	vst.add.f32.msk $0xffff, v3  }
0xd4: {  	[tilespmem:s9+$0x30] =	vst.add.f32.msk $0xffff, v4  }
0xd5: {  	v3 =	vld [tilespmem:s15+$0x40]  }
0xd6: {  	v4 =	vld [tilespmem:s16+$0x40];
	_ =	sdelay $0x3  }
0xd7: {  	[tilespmem:s10+$0x40] =	vst.add.f32.msk $0xffff, v3  }
0xd8: {  	[tilespmem:s9+$0x40] =	vst.add.f32.msk $0xffff, v4  }
0xd9: {  	v3 =	vld [tilespmem:s15+$0x50]  }
0xda: {  	v4 =	vld [tilespmem:s16+$0x50];
	_ =	sdelay $0x3  }
0xdb: {  	[tilespmem:s10+$0x50] =	vst.add.f32.msk $0xffff, v3  }
0xdc: {  	[tilespmem:s9+$0x50] =	vst.add.f32.msk $0xffff, v4  }
0xdd: {  	v3 =	vld [tilespmem:s15+$0x60]  }
0xde: {  	v4 =	vld [tilespmem:s16+$0x60];
	_ =	sdelay $0x3  }
0xdf: {  	[tilespmem:s10+$0x60] =	vst.add.f32.msk $0xffff, v3  }
0xe0: {  	[tilespmem:s9+$0x60] =	vst.add.f32.msk $0xffff, v4  }
0xe1: {  	v3 =	vld [tilespmem:s15+$0x70]  }
0xe2: {  	v4 =	vld [tilespmem:s16+$0x70];
	_ =	sdelay $0x3  }
0xe3: {  	[tilespmem:s10+$0x70] =	vst.add.f32.msk $0xffff, v3  }
0xe4: {  	[tilespmem:s9+$0x70] =	vst.add.f32.msk $0xffff, v4  }
0xe5: {  	v3 =	vld [tilespmem:s15+$0x400]  }
0xe6: {  	v4 =	vld [tilespmem:s16+$0x400];
	_ =	sdelay $0x3  }
0xe7: {  	[tilespmem:s10+$0x400] =	vst.add.f32.msk $0xffff, v3  }
0xe8: {  	[tilespmem:s9+$0x400] =	vst.add.f32.msk $0xffff, v4  }
0xe9: {  	v3 =	vld [tilespmem:s15+$0x410]  }
0xea: {  	v4 =	vld [tilespmem:s16+$0x410];
	_ =	sdelay $0x3  }
0xeb: {  	[tilespmem:s10+$0x410] =	vst.add.f32.msk $0xffff, v3  }
0xec: {  	[tilespmem:s9+$0x410] =	vst.add.f32.msk $0xffff, v4  }
0xed: {  	v3 =	vld [tilespmem:s15+$0x420]  }
0xee: {  	v4 =	vld [tilespmem:s16+$0x420];
	_ =	sdelay $0x3  }
0xef: {  	[tilespmem:s10+$0x420] =	vst.add.f32.msk $0xffff, v3  }
0xf0: {  	[tilespmem:s9+$0x420] =	vst.add.f32.msk $0xffff, v4  }
0xf1: {  	v3 =	vld [tilespmem:s15+$0x430]  }
0xf2: {  	v4 =	vld [tilespmem:s16+$0x430];
	_ =	sdelay $0x3  }
0xf3: {  	[tilespmem:s10+$0x430] =	vst.add.f32.msk $0xffff, v3  }
0xf4: {  	[tilespmem:s9+$0x430] =	vst.add.f32.msk $0xffff, v4  }
0xf5: {  	v3 =	vld [tilespmem:s15+$0x440]  }
0xf6: {  	v4 =	vld [tilespmem:s16+$0x440];
	_ =	sdelay $0x3  }
0xf7: {  	[tilespmem:s10+$0x440] =	vst.add.f32.msk $0xffff, v3  }
0xf8: {  	[tilespmem:s9+$0x440] =	vst.add.f32.msk $0xffff, v4  }
0xf9: {  	v3 =	vld [tilespmem:s15+$0x450]  }
0xfa: {  	v4 =	vld [tilespmem:s16+$0x450];
	_ =	sdelay $0x3  }
0xfb: {  	[tilespmem:s10+$0x450] =	vst.add.f32.msk $0xffff, v3  }
0xfc: {  	[tilespmem:s9+$0x450] =	vst.add.f32.msk $0xffff, v4  }
0xfd: {  	v3 =	vld [tilespmem:s15+$0x460]  }
0xfe: {  	v4 =	vld [tilespmem:s16+$0x460];
	_ =	sdelay $0x3  }
0xff: {  	[tilespmem:s10+$0x460] =	vst.add.f32.msk $0xffff, v3  }
0x100: {  	[tilespmem:s9+$0x460] =	vst.add.f32.msk $0xffff, v4  }
0x101: {  	v3 =	vld [tilespmem:s15+$0x470]  }
0x102: {  	v4 =	vld [tilespmem:s16+$0x470];
	_ =	sdelay $0x3  }
0x103: {  	s17 =	sadd.s32 $0xA00, s8;
	[tilespmem:s10+$0x470] =	vst.add.f32.msk $0xffff, v3  }
0x104: {  	s18 =	sadd.s32 s2, s17;
	[tilespmem:s9+$0x470] =	vst.add.f32.msk $0xffff, v4  }
0x105: {  	s3 =	sadd.s32 s0, s17;
	v3 =	vld [tilespmem:s18+$0x0]  }
0x106: {  	v4 =	vld [tilespmem:s3+$0x0];
	_ =	sdelay $0x1  }
0x107: {  	s19 =	sadd.s32 $0xCA00, s7  }
0x108: {  	s20 =	sadd.s32 s2, s19  }
0x109: {  	s9 =	sadd.s32 s0, s19;
	[tilespmem:s20+$0x0] =	vst.add.f32.msk $0xffff, v3  }
0x10a: {  	[tilespmem:s9+$0x0] =	vst.add.f32.msk $0xffff, v4  }
0x10b: {  	v3 =	vld [tilespmem:s18+$0x10]  }
0x10c: {  	v4 =	vld [tilespmem:s3+$0x10];
	_ =	sdelay $0x3  }
0x10d: {  	[tilespmem:s20+$0x10] =	vst.add.f32.msk $0xffff, v3  }
0x10e: {  	[tilespmem:s9+$0x10] =	vst.add.f32.msk $0xffff, v4  }
0x10f: {  	v3 =	vld [tilespmem:s18+$0x20]  }
0x110: {  	v4 =	vld [tilespmem:s3+$0x20];
	_ =	sdelay $0x3  }
0x111: {  	[tilespmem:s20+$0x20] =	vst.add.f32.msk $0xffff, v3  }
0x112: {  	[tilespmem:s9+$0x20] =	vst.add.f32.msk $0xffff, v4  }
0x113: {  	v3 =	vld [tilespmem:s18+$0x30]  }
0x114: {  	v4 =	vld [tilespmem:s3+$0x30];
	_ =	sdelay $0x3  }
0x115: {  	[tilespmem:s20+$0x30] =	vst.add.f32.msk $0xffff, v3  }
0x116: {  	[tilespmem:s9+$0x30] =	vst.add.f32.msk $0xffff, v4  }
0x117: {  	v3 =	vld [tilespmem:s18+$0x40]  }
0x118: {  	v4 =	vld [tilespmem:s3+$0x40];
	_ =	sdelay $0x3  }
0x119: {  	[tilespmem:s20+$0x40] =	vst.add.f32.msk $0xffff, v3  }
0x11a: {  	[tilespmem:s9+$0x40] =	vst.add.f32.msk $0xffff, v4  }
0x11b: {  	v3 =	vld [tilespmem:s18+$0x50]  }
0x11c: {  	v4 =	vld [tilespmem:s3+$0x50];
	_ =	sdelay $0x3  }
0x11d: {  	[tilespmem:s20+$0x50] =	vst.add.f32.msk $0xffff, v3  }
0x11e: {  	[tilespmem:s9+$0x50] =	vst.add.f32.msk $0xffff, v4  }
0x11f: {  	v3 =	vld [tilespmem:s18+$0x60]  }
0x120: {  	v4 =	vld [tilespmem:s3+$0x60];
	_ =	sdelay $0x3  }
0x121: {  	[tilespmem:s20+$0x60] =	vst.add.f32.msk $0xffff, v3  }
0x122: {  	[tilespmem:s9+$0x60] =	vst.add.f32.msk $0xffff, v4  }
0x123: {  	v3 =	vld [tilespmem:s18+$0x70]  }
0x124: {  	v4 =	vld [tilespmem:s3+$0x70];
	_ =	sdelay $0x3  }
0x125: {  	s21 =	sadd.s32 $0xE00, s8;
	[tilespmem:s20+$0x70] =	vst.add.f32.msk $0xffff, v3  }
0x126: {  	s22 =	sadd.s32 s2, s21;
	[tilespmem:s9+$0x70] =	vst.add.f32.msk $0xffff, v4  }
0x127: {  	s13 =	sadd.s32 s0, s21;
	v3 =	vld [tilespmem:s22+$0x0]  }
0x128: {  	v4 =	vld [tilespmem:s13+$0x0];
	_ =	sdelay $0x1  }
0x129: {  	s15 =	rddreg [dreg:$0x5];
	s10 =	sadd.s32 $0xCE00, s7  }
0x12a: {  	s16 =	sadd.s32 $0x2, s15;
	s14 =	sadd.s32 s2, s10  }
0x12b: {  	s6 =	sshrl.u32 s16, $0x3;
	s10 =	sadd.s32 s0, s10;
	[tilespmem:s14+$0x0] =	vst.add.f32.msk $0xffff, v3  }
0x12c: {  	s6 =	smul.u32 $0x6000, s6;
	[tilespmem:s10+$0x0] =	vst.add.f32.msk $0xffff, v4  }
0x12d: {  	s17 =	simm.s32 $0x0;
	v3 =	vld [tilespmem:s22+$0x10]  }
0x12e: {  	s31 =	simm.s32 $0x100;
	s29 =	sshra.s32 s6, $0x2;
	s6 =	smul.u32 $0x6000, s17;
	v4 =	vld [tilespmem:s13+$0x10]  }
0x12f: {  	s26 =	sand.u32 $0x300, s31;
	s18 =	sor.u32 $0x200, s29  }
0x130: {  	s16 =	sshra.s32 s6, $0x2;
	s6 =	sadd.s32 s26, s18  }
0x131: {  	v6 =	vld [tilespmem:s6+$0x0]  }
0x132: {  	s28 =	sor.u32 $0x80, s26;
	[tilespmem:s14+$0x10] =	vst.add.f32.msk $0xffff, v3  }
0x133: {  	s15 =	sadd.s32 s28, s18;
	[tilespmem:s10+$0x10] =	vst.add.f32.msk $0xffff, v4  }
0x134: {  	s30 =	sadd.s32 s25, s16;
	v4 =	vld [tilespmem:s15+$0x0]  }
0x135: {  	s19 =	sadd.s32 $0xC200, s30;
	v3 =	vld [tilespmem:s22+$0x20]  }
0x136: {  	s9 =	sadd.s32 s26, s19  }
0x137: {  	[tilespmem:s9+$0x0] =	vst.add.f32.msk $0xffff, v6  }
0x138: {  	s20 =	sadd.s32 s28, s19;
	v6 =	vld [tilespmem:s6+$0x10]  }
0x139: {  	[tilespmem:s20+$0x0] =	vst.add.f32.msk $0xffff, v4  }
0x13a: {  	[tilespmem:s14+$0x20] =	vst.add.f32.msk $0xffff, v3  }
0x13b: {  	v4 =	vld [tilespmem:s15+$0x10]  }
0x13c: {  	v3 =	vld [tilespmem:s22+$0x30]  }
0x13d: {  	[tilespmem:s9+$0x10] =	vst.add.f32.msk $0xffff, v6  }
0x13e: {  	v5 =	vld [tilespmem:s13+$0x20]  }
0x13f: {  	v6 =	vld [tilespmem:s6+$0x20]  }
0x140: {  	[tilespmem:s20+$0x10] =	vst.add.f32.msk $0xffff, v4  }
0x141: {  	[tilespmem:s14+$0x30] =	vst.add.f32.msk $0xffff, v3  }
0x142: {  	v3 =	vld [tilespmem:s15+$0x20]  }
0x143: {  	[tilespmem:s10+$0x20] =	vst.add.f32.msk $0xffff, v5  }
0x144: {  	v4 =	vld [tilespmem:s13+$0x30]  }
0x145: {  	[tilespmem:s9+$0x20] =	vst.add.f32.msk $0xffff, v6  }
0x146: {  	v5 =	vld [tilespmem:s22+$0x40]  }
0x147: {  	[tilespmem:s20+$0x20] =	vst.add.f32.msk $0xffff, v3  }
0x148: {  	v3 =	vld [tilespmem:s15+$0x30]  }
0x149: {  	[tilespmem:s10+$0x30] =	vst.add.f32.msk $0xffff, v4  }
0x14a: {  	v6 =	vld [tilespmem:s13+$0x40]  }
0x14b: {  	[tilespmem:s14+$0x40] =	vst.add.f32.msk $0xffff, v5  }
0x14c: {  	v4 =	vld [tilespmem:s22+$0x50]  }
0x14d: {  	[tilespmem:s20+$0x30] =	vst.add.f32.msk $0xffff, v3  }
0x14e: {  	v3 =	vld [tilespmem:s15+$0x40]  }
0x14f: {  	v5 =	vld [tilespmem:s6+$0x30]  }
0x150: {  	[tilespmem:s10+$0x40] =	vst.add.f32.msk $0xffff, v6  }
0x151: {  	[tilespmem:s14+$0x50] =	vst.add.f32.msk $0xffff, v4  }
0x152: {  	v4 =	vld [tilespmem:s22+$0x60]  }
0x153: {  	[tilespmem:s20+$0x40] =	vst.add.f32.msk $0xffff, v3  }
0x154: {  	v3 =	vld [tilespmem:s15+$0x50]  }
0x155: {  	[tilespmem:s9+$0x30] =	vst.add.f32.msk $0xffff, v5  }
0x156: {  	v6 =	vld [tilespmem:s13+$0x50]  }
0x157: {  	[tilespmem:s14+$0x60] =	vst.add.f32.msk $0xffff, v4  }
0x158: {  	v4 =	vld [tilespmem:s22+$0x70]  }
0x159: {  	[tilespmem:s20+$0x50] =	vst.add.f32.msk $0xffff, v3  }
0x15a: {  	v3 =	vld [tilespmem:s15+$0x60]  }
0x15b: {  	v5 =	vld [tilespmem:s6+$0x40]  }
0x15c: {  	s21 =	sadd.s32 $0x1200, s8;
	[tilespmem:s10+$0x50] =	vst.add.f32.msk $0xffff, v6  }
0x15d: {  	s22 =	sadd.s32 s2, s21;
	[tilespmem:s14+$0x70] =	vst.add.f32.msk $0xffff, v4  }
0x15e: {  	v4 =	vld [tilespmem:s22+$0x0]  }
0x15f: {  	[tilespmem:s20+$0x60] =	vst.add.f32.msk $0xffff, v3  }
0x160: {  	v3 =	vld [tilespmem:s15+$0x70]  }
0x161: {  	s17 =	sadd.s32 $0xD200, s7;
	[tilespmem:s9+$0x40] =	vst.add.f32.msk $0xffff, v5  }
0x162: {  	s18 =	sadd.s32 s2, s17;
	v6 =	vld [tilespmem:s13+$0x60]  }
0x163: {  	[tilespmem:s18+$0x0] =	vst.add.f32.msk $0xffff, v4  }
0x164: {  	v4 =	vld [tilespmem:s22+$0x10]  }
0x165: {  	[tilespmem:s20+$0x70] =	vst.add.f32.msk $0xffff, v3  }
0x166: {  	v3 =	vld [tilespmem:s15+$0x400]  }
0x167: {  	v5 =	vld [tilespmem:s6+$0x50]  }
0x168: {  	[tilespmem:s10+$0x60] =	vst.add.f32.msk $0xffff, v6  }
0x169: {  	[tilespmem:s18+$0x10] =	vst.add.f32.msk $0xffff, v4  }
0x16a: {  	v4 =	vld [tilespmem:s22+$0x20]  }
0x16b: {  	[tilespmem:s20+$0x400] =	vst.add.f32.msk $0xffff, v3  }
0x16c: {  	v3 =	vld [tilespmem:s15+$0x410]  }
0x16d: {  	[tilespmem:s9+$0x50] =	vst.add.f32.msk $0xffff, v5  }
0x16e: {  	v6 =	vld [tilespmem:s13+$0x70]  }
0x16f: {  	[tilespmem:s18+$0x20] =	vst.add.f32.msk $0xffff, v4  }
0x170: {  	v4 =	vld [tilespmem:s22+$0x30]  }
0x171: {  	[tilespmem:s20+$0x410] =	vst.add.f32.msk $0xffff, v3  }
0x172: {  	v3 =	vld [tilespmem:s15+$0x420]  }
0x173: {  	v5 =	vld [tilespmem:s6+$0x60]  }
0x174: {  	[tilespmem:s10+$0x70] =	vst.add.f32.msk $0xffff, v6  }
0x175: {  	[tilespmem:s18+$0x30] =	vst.add.f32.msk $0xffff, v4  }
0x176: {  	v4 =	vld [tilespmem:s22+$0x40]  }
0x177: {  	[tilespmem:s20+$0x420] =	vst.add.f32.msk $0xffff, v3  }
0x178: {  	v3 =	vld [tilespmem:s15+$0x430]  }
0x179: {  	[tilespmem:s9+$0x60] =	vst.add.f32.msk $0xffff, v5  }
0x17a: {  	v5 =	vld [tilespmem:s6+$0x70]  }
0x17b: {  	[tilespmem:s18+$0x40] =	vst.add.f32.msk $0xffff, v4  }
0x17c: {  	v4 =	vld [tilespmem:s22+$0x50]  }
0x17d: {  	[tilespmem:s20+$0x430] =	vst.add.f32.msk $0xffff, v3  }
0x17e: {  	v3 =	vld [tilespmem:s15+$0x440]  }
0x17f: {  	[tilespmem:s9+$0x70] =	vst.add.f32.msk $0xffff, v5  }
0x180: {  	v5 =	vld [tilespmem:s6+$0x400]  }
0x181: {  	[tilespmem:s18+$0x50] =	vst.add.f32.msk $0xffff, v4  }
0x182: {  	v4 =	vld [tilespmem:s22+$0x60]  }
0x183: {  	[tilespmem:s20+$0x440] =	vst.add.f32.msk $0xffff, v3  }
0x184: {  	v3 =	vld [tilespmem:s15+$0x450]  }
0x185: {  	[tilespmem:s9+$0x400] =	vst.add.f32.msk $0xffff, v5  }
0x186: {  	v5 =	vld [tilespmem:s6+$0x410]  }
0x187: {  	[tilespmem:s18+$0x60] =	vst.add.f32.msk $0xffff, v4  }
0x188: {  	v4 =	vld [tilespmem:s22+$0x70]  }
0x189: {  	[tilespmem:s20+$0x450] =	vst.add.f32.msk $0xffff, v3  }
0x18a: {  	v3 =	vld [tilespmem:s15+$0x460]  }
0x18b: {  	[tilespmem:s9+$0x410] =	vst.add.f32.msk $0xffff, v5  }
0x18c: {  	s8 =	sadd.s32 $0x1600, s8;
	v5 =	vld [tilespmem:s6+$0x420]  }
0x18d: {  	s14 =	sadd.s32 s2, s8;
	[tilespmem:s18+$0x70] =	vst.add.f32.msk $0xffff, v4  }
0x18e: {  	v4 =	vld [tilespmem:s14+$0x0]  }
0x18f: {  	[tilespmem:s20+$0x460] =	vst.add.f32.msk $0xffff, v3  }
0x190: {  	s10 =	sadd.s32 s0, s21;
	v3 =	vld [tilespmem:s15+$0x470]  }
0x191: {  	v6 =	vld [tilespmem:s10+$0x0]  }
0x192: {  	[tilespmem:s9+$0x420] =	vst.add.f32.msk $0xffff, v5;
	s18 =	sadd.s32 $0xD600, s7  }
0x193: {  	v5 =	vld [tilespmem:s6+$0x430];
	s15 =	sadd.s32 s2, s18  }
0x194: {  	s19 =	sadd.s32 $0xA00, s29;
	[tilespmem:s15+$0x0] =	vst.add.f32.msk $0xffff, v4  }
0x195: {  	s3 =	sadd.s32 s28, s19;
	[tilespmem:s20+$0x470] =	vst.add.f32.msk $0xffff, v3  }
0x196: {  	s20 =	sadd.s32 s0, s17;
	v3 =	vld [tilespmem:s3+$0x0]  }
0x197: {  	[tilespmem:s20+$0x0] =	vst.add.f32.msk $0xffff, v6  }
0x198: {  	v4 =	vld [tilespmem:s10+$0x10]  }
0x199: {  	s21 =	sadd.s32 $0xCA00, s30  }
0x19a: {  	[tilespmem:s9+$0x430] =	vst.add.f32.msk $0xffff, v5;
	s22 =	sadd.s32 s28, s21  }
0x19b: {  	[tilespmem:s22+$0x0] =	vst.add.f32.msk $0xffff, v3  }
0x19c: {  	v3 =	vld [tilespmem:s6+$0x440]  }
0x19d: {  	[tilespmem:s20+$0x10] =	vst.add.f32.msk $0xffff, v4  }
0x19e: {  	v5 =	vld [tilespmem:s3+$0x10]  }
0x19f: {  	v4 =	vld [tilespmem:s10+$0x20]  }
0x1a0: {  	v6 =	vld [tilespmem:s14+$0x10]  }
0x1a1: {  	[tilespmem:s9+$0x440] =	vst.add.f32.msk $0xffff, v3  }
0x1a2: {  	v3 =	vld [tilespmem:s6+$0x450]  }
0x1a3: {  	[tilespmem:s22+$0x10] =	vst.add.f32.msk $0xffff, v5  }
0x1a4: {  	[tilespmem:s20+$0x20] =	vst.add.f32.msk $0xffff, v4  }
0x1a5: {  	v5 =	vld [tilespmem:s3+$0x20]  }
0x1a6: {  	v4 =	vld [tilespmem:s10+$0x30]  }
0x1a7: {  	[tilespmem:s15+$0x10] =	vst.add.f32.msk $0xffff, v6  }
0x1a8: {  	[tilespmem:s9+$0x450] =	vst.add.f32.msk $0xffff, v3  }
0x1a9: {  	v3 =	vld [tilespmem:s6+$0x460]  }
0x1aa: {  	[tilespmem:s22+$0x20] =	vst.add.f32.msk $0xffff, v5  }
0x1ab: {  	[tilespmem:s20+$0x30] =	vst.add.f32.msk $0xffff, v4  }
0x1ac: {  	v4 =	vld [tilespmem:s10+$0x40]  }
0x1ad: {  	v5 =	vld [tilespmem:s3+$0x30]  }
0x1ae: {  	[tilespmem:s9+$0x460] =	vst.add.f32.msk $0xffff, v3  }
0x1af: {  	v3 =	vld [tilespmem:s6+$0x470]  }
0x1b0: {  	v6 =	vld [tilespmem:s14+$0x20]  }
0x1b1: {  	[tilespmem:s20+$0x40] =	vst.add.f32.msk $0xffff, v4  }
0x1b2: {  	v4 =	vld [tilespmem:s10+$0x50]  }
0x1b3: {  	[tilespmem:s22+$0x30] =	vst.add.f32.msk $0xffff, v5  }
0x1b4: {  	s13 =	sadd.s32 s26, s19;
	[tilespmem:s9+$0x470] =	vst.add.f32.msk $0xffff, v3  }
0x1b5: {  	v3 =	vld [tilespmem:s13+$0x0]  }
0x1b6: {  	v5 =	vld [tilespmem:s3+$0x40]  }
0x1b7: {  	[tilespmem:s20+$0x50] =	vst.add.f32.msk $0xffff, v4  }
0x1b8: {  	v4 =	vld [tilespmem:s10+$0x60]  }
0x1b9: {  	s19 =	sadd.s32 s26, s21;
	[tilespmem:s15+$0x20] =	vst.add.f32.msk $0xffff, v6  }
0x1ba: {  	[tilespmem:s19+$0x0] =	vst.add.f32.msk $0xffff, v3  }
0x1bb: {  	v3 =	vld [tilespmem:s13+$0x10]  }
0x1bc: {  	[tilespmem:s22+$0x40] =	vst.add.f32.msk $0xffff, v5  }
0x1bd: {  	[tilespmem:s20+$0x60] =	vst.add.f32.msk $0xffff, v4  }
0x1be: {  	v4 =	vld [tilespmem:s10+$0x70]  }
0x1bf: {  	v5 =	vld [tilespmem:s3+$0x50]  }
0x1c0: {  	[tilespmem:s19+$0x10] =	vst.add.f32.msk $0xffff, v3  }
0x1c1: {  	v3 =	vld [tilespmem:s13+$0x20]  }
0x1c2: {  	v6 =	vld [tilespmem:s14+$0x30]  }
0x1c3: {  	s7 =	sadd.s32 s0, s8;
	[tilespmem:s20+$0x70] =	vst.add.f32.msk $0xffff, v4  }
0x1c4: {  	v4 =	vld [tilespmem:s7+$0x0]  }
0x1c5: {  	[tilespmem:s22+$0x50] =	vst.add.f32.msk $0xffff, v5  }
0x1c6: {  	[tilespmem:s19+$0x20] =	vst.add.f32.msk $0xffff, v3  }
0x1c7: {  	v3 =	vld [tilespmem:s13+$0x30]  }
0x1c8: {  	s8 =	sadd.s32 s0, s18;
	v5 =	vld [tilespmem:s3+$0x60]  }
0x1c9: {  	[tilespmem:s8+$0x0] =	vst.add.f32.msk $0xffff, v4  }
0x1ca: {  	v4 =	vld [tilespmem:s7+$0x10]  }
0x1cb: {  	[tilespmem:s15+$0x30] =	vst.add.f32.msk $0xffff, v6  }
0x1cc: {  	[tilespmem:s19+$0x30] =	vst.add.f32.msk $0xffff, v3  }
0x1cd: {  	v3 =	vld [tilespmem:s13+$0x40]  }
0x1ce: {  	[tilespmem:s22+$0x60] =	vst.add.f32.msk $0xffff, v5  }
0x1cf: {  	[tilespmem:s8+$0x10] =	vst.add.f32.msk $0xffff, v4  }
0x1d0: {  	v4 =	vld [tilespmem:s7+$0x20]  }
0x1d1: {  	v5 =	vld [tilespmem:s3+$0x70]  }
0x1d2: {  	[tilespmem:s19+$0x40] =	vst.add.f32.msk $0xffff, v3  }
0x1d3: {  	v3 =	vld [tilespmem:s13+$0x50]  }
0x1d4: {  	v6 =	vld [tilespmem:s14+$0x40]  }
0x1d5: {  	[tilespmem:s8+$0x20] =	vst.add.f32.msk $0xffff, v4  }
0x1d6: {  	v4 =	vld [tilespmem:s7+$0x30]  }
0x1d7: {  	[tilespmem:s22+$0x70] =	vst.add.f32.msk $0xffff, v5  }
0x1d8: {  	s20 =	sadd.s32 $0xE00, s29;
	[tilespmem:s19+$0x50] =	vst.add.f32.msk $0xffff, v3  }
0x1d9: {  	s18 =	sadd.s32 s28, s20;
	v3 =	vld [tilespmem:s13+$0x60]  }
0x1da: {  	v5 =	vld [tilespmem:s18+$0x0]  }
0x1db: {  	[tilespmem:s8+$0x30] =	vst.add.f32.msk $0xffff, v4  }
0x1dc: {  	v4 =	vld [tilespmem:s7+$0x40]  }
0x1dd: {  	[tilespmem:s15+$0x40] =	vst.add.f32.msk $0xffff, v6  }
0x1de: {  	s3 =	sadd.s32 $0xCE00, s30;
	[tilespmem:s19+$0x60] =	vst.add.f32.msk $0xffff, v3  }
0x1df: {  	s22 =	sadd.s32 s28, s3;
	v6 =	vld [tilespmem:s13+$0x70]  }
0x1e0: {  	[tilespmem:s22+$0x0] =	vst.add.f32.msk $0xffff, v5  }
0x1e1: {  	[tilespmem:s8+$0x40] =	vst.add.f32.msk $0xffff, v4  }
0x1e2: {  	v4 =	vld [tilespmem:s7+$0x50]  }
0x1e3: {  	v3 =	vld [tilespmem:s14+$0x50]  }
0x1e4: {  	s21 =	sshll.u32 s23, $0x5;
	s9 =	sadd.s32 s26, s20;
	[tilespmem:s19+$0x70] =	vst.add.f32.msk $0xffff, v6  }
0x1e5: {  	s2 =	sadd.s32 $0xC200, s25;
	s0 =	sand.u32 $0x20, s21;
	s6 =	simm.s32 $0x4;
	v5 =	vld [tilespmem:s9+$0x0]  }
.LBB2_3:
0x1e6: {  	s13 =	sshrl.u32 s6, $0x3;
	v6 =	vld [tilespmem:s18+$0x10]  }
0x1e7: {  	s13 =	smul.u32 $0x6000, s13;
	[tilespmem:s8+$0x50] =	vst.add.f32.msk $0xffff, v4  }
0x1e8: {  	v4 =	vld [tilespmem:s7+$0x60]  }
0x1e9: {  	s21 =	sshra.s32 s13, $0x2;
	s13 =	sadd.s32 s26, s3;
	[tilespmem:s15+$0x50] =	vst.add.f32.msk $0xffff, v3  }
0x1ea: {  	[tilespmem:s13+$0x0] =	vst.add.f32.msk $0xffff, v5  }
0x1eb: {  	v3 =	vld [tilespmem:s9+$0x10]  }
0x1ec: {  	s10 =	rddreg [dreg:$0x5];
	s17 =	smov.u32 s6;
	[tilespmem:s22+$0x10] =	vst.add.f32.msk $0xffff, v6  }
0x1ed: {  	s20 =	sadd.s32 s17, s10;
	[tilespmem:s8+$0x60] =	vst.add.f32.msk $0xffff, v4  }
0x1ee: {  	s17 =	sshrl.u32 s20, $0x3;
	v4 =	vld [tilespmem:s7+$0x70]  }
0x1ef: {  	s3 =	smul.u32 $0x6000, s17;
	v5 =	vld [tilespmem:s18+$0x20]  }
0x1f0: {  	s31 =	sadd.s32 $0x100, s31;
	v6 =	vld [tilespmem:s14+$0x60]  }
0x1f1: {  	s16 =	sadd.s32 $0x2, s6;
	s17 =	sand.u32 $0x300, s31;
	s19 =	sshra.s32 s3, $0x2;
	[tilespmem:s13+$0x10] =	vst.add.f32.msk $0xffff, v3  }
0x1f2: {  	p1 =	slt.u32 s6, $0x1E;
	s6 =	sor.u32 $0x80, s17;
	s3 =	sor.u32 $0x200, s19;
	v3 =	vld [tilespmem:s9+$0x20]  }
0x1f3: {  	s20 =	sadd.s32 s6, s3;
	[tilespmem:s8+$0x70] =	vst.add.f32.msk $0xffff, v4  }
0x1f4: {  	v4 =	vld [tilespmem:s20+$0x0]  }
0x1f5: {  	s7 =	sadd.s32 s17, s3;
	[tilespmem:s22+$0x20] =	vst.add.f32.msk $0xffff, v5  }
0x1f6: {  	s10 =	sadd.s32 s25, s21;
	v5 =	vld [tilespmem:s7+$0x0]  }
0x1f7: {  	s21 =	sadd.s32 $0xC200, s10;
	[tilespmem:s13+$0x20] =	vst.add.f32.msk $0xffff, v3  }
0x1f8: {  	s8 =	sadd.s32 s17, s21;
	s21 =	sadd.s32 s6, s21;
	v3 =	vld [tilespmem:s18+$0x30]  }
0x1f9: {  	[tilespmem:s21+$0x0] =	vst.add.f32.msk $0xffff, v4  }
0x1fa: {  	v4 =	vld [tilespmem:s20+$0x10]  }
0x1fb: {  	[tilespmem:s15+$0x60] =	vst.add.f32.msk $0xffff, v6  }
0x1fc: {  	[tilespmem:s8+$0x0] =	vst.add.f32.msk $0xffff, v5  }
0x1fd: {  	v5 =	vld [tilespmem:s7+$0x10]  }
0x1fe: {  	[tilespmem:s22+$0x30] =	vst.add.f32.msk $0xffff, v3  }
0x1ff: {  	[tilespmem:s21+$0x10] =	vst.add.f32.msk $0xffff, v4  }
0x200: {  	v3 =	vld [tilespmem:s14+$0x70]  }
0x201: {  	v4 =	vld [tilespmem:s20+$0x20]  }
0x202: {  	[tilespmem:s8+$0x10] =	vst.add.f32.msk $0xffff, v5  }
0x203: {  	v5 =	vld [tilespmem:s18+$0x40]  }
0x204: {  	v6 =	vld [tilespmem:s9+$0x30]  }
0x205: {  	[tilespmem:s15+$0x70] =	vst.add.f32.msk $0xffff, v3  }
0x206: {  	v3 =	vld [tilespmem:s7+$0x20]  }
0x207: {  	[tilespmem:s21+$0x20] =	vst.add.f32.msk $0xffff, v4  }
0x208: {  	v4 =	vld [tilespmem:s20+$0x30]  }
0x209: {  	[tilespmem:s13+$0x30] =	vst.add.f32.msk $0xffff, v6  }
0x20a: {  	[tilespmem:s22+$0x40] =	vst.add.f32.msk $0xffff, v5  }
0x20b: {  	v5 =	vld [tilespmem:s18+$0x50]  }
0x20c: {  	[tilespmem:s8+$0x20] =	vst.add.f32.msk $0xffff, v3  }
0x20d: {  	[tilespmem:s21+$0x30] =	vst.add.f32.msk $0xffff, v4  }
0x20e: {  	v4 =	vld [tilespmem:s7+$0x30]  }
0x20f: {  	v3 =	vld [tilespmem:s20+$0x40]  }
0x210: {  	[tilespmem:s22+$0x50] =	vst.add.f32.msk $0xffff, v5  }
0x211: {  	v5 =	vld [tilespmem:s18+$0x60]  }
0x212: {  	v6 =	vld [tilespmem:s9+$0x40]  }
0x213: {  	[tilespmem:s8+$0x30] =	vst.add.f32.msk $0xffff, v4  }
0x214: {  	[tilespmem:s21+$0x40] =	vst.add.f32.msk $0xffff, v3  }
0x215: {  	v3 =	vld [tilespmem:s20+$0x50]  }
0x216: {  	[tilespmem:s22+$0x60] =	vst.add.f32.msk $0xffff, v5  }
0x217: {  	v5 =	vld [tilespmem:s7+$0x40];
	_ =	sdelay $0x1  }
0x218: {  	v4 =	vld [tilespmem:s18+$0x70]  }
0x219: {  	[tilespmem:s13+$0x40] =	vst.add.f32.msk $0xffff, v6  }
0x21a: {  	[tilespmem:s21+$0x50] =	vst.add.f32.msk $0xffff, v3  }
0x21b: {  	[tilespmem:s8+$0x40] =	vst.add.f32.msk $0xffff, v5  }
0x21c: {  	v3 =	vld [tilespmem:s20+$0x60]  }
0x21d: {  	s15 =	sadd.s32 $0x1200, s29;
	[tilespmem:s22+$0x70] =	vst.add.f32.msk $0xffff, v4  }
0x21e: {  	s18 =	sadd.s32 s28, s15;
	v5 =	vld [tilespmem:s7+$0x50]  }
0x21f: {  	v4 =	vld [tilespmem:s18+$0x0]  }
0x220: {  	v6 =	vld [tilespmem:s9+$0x50]  }
0x221: {  	[tilespmem:s21+$0x60] =	vst.add.f32.msk $0xffff, v3  }
0x222: {  	s22 =	sadd.s32 $0xD200, s30;
	v3 =	vld [tilespmem:s20+$0x70]  }
0x223: {  	s3 =	sadd.s32 s28, s22;
	[tilespmem:s8+$0x50] =	vst.add.f32.msk $0xffff, v5  }
0x224: {  	[tilespmem:s3+$0x0] =	vst.add.f32.msk $0xffff, v4  }
0x225: {  	v5 =	vld [tilespmem:s7+$0x60]  }
0x226: {  	v4 =	vld [tilespmem:s18+$0x10]  }
0x227: {  	[tilespmem:s21+$0x70] =	vst.add.f32.msk $0xffff, v3  }
0x228: {  	v3 =	vld [tilespmem:s20+$0x400]  }
0x229: {  	[tilespmem:s13+$0x50] =	vst.add.f32.msk $0xffff, v6  }
0x22a: {  	[tilespmem:s8+$0x60] =	vst.add.f32.msk $0xffff, v5  }
0x22b: {  	[tilespmem:s3+$0x10] =	vst.add.f32.msk $0xffff, v4  }
0x22c: {  	v4 =	vld [tilespmem:s18+$0x20]  }
0x22d: {  	[tilespmem:s21+$0x400] =	vst.add.f32.msk $0xffff, v3  }
0x22e: {  	v3 =	vld [tilespmem:s20+$0x410]  }
0x22f: {  	v5 =	vld [tilespmem:s7+$0x70]  }
0x230: {  	v6 =	vld [tilespmem:s9+$0x60]  }
0x231: {  	[tilespmem:s3+$0x20] =	vst.add.f32.msk $0xffff, v4  }
0x232: {  	v4 =	vld [tilespmem:s18+$0x30]  }
0x233: {  	[tilespmem:s21+$0x410] =	vst.add.f32.msk $0xffff, v3  }
0x234: {  	v3 =	vld [tilespmem:s20+$0x420]  }
0x235: {  	[tilespmem:s8+$0x70] =	vst.add.f32.msk $0xffff, v5  }
0x236: {  	v5 =	vld [tilespmem:s7+$0x400]  }
0x237: {  	[tilespmem:s3+$0x30] =	vst.add.f32.msk $0xffff, v4  }
0x238: {  	v4 =	vld [tilespmem:s18+$0x40]  }
0x239: {  	[tilespmem:s21+$0x420] =	vst.add.f32.msk $0xffff, v3  }
0x23a: {  	v3 =	vld [tilespmem:s20+$0x430]  }
0x23b: {  	[tilespmem:s13+$0x60] =	vst.add.f32.msk $0xffff, v6  }
0x23c: {  	[tilespmem:s8+$0x400] =	vst.add.f32.msk $0xffff, v5  }
0x23d: {  	[tilespmem:s3+$0x40] =	vst.add.f32.msk $0xffff, v4  }
0x23e: {  	v4 =	vld [tilespmem:s18+$0x50]  }
0x23f: {  	[tilespmem:s21+$0x430] =	vst.add.f32.msk $0xffff, v3  }
0x240: {  	v3 =	vld [tilespmem:s20+$0x440]  }
0x241: {  	v5 =	vld [tilespmem:s7+$0x410]  }
0x242: {  	v6 =	vld [tilespmem:s9+$0x70]  }
0x243: {  	[tilespmem:s3+$0x50] =	vst.add.f32.msk $0xffff, v4  }
0x244: {  	v4 =	vld [tilespmem:s18+$0x60]  }
0x245: {  	[tilespmem:s21+$0x440] =	vst.add.f32.msk $0xffff, v3  }
0x246: {  	v3 =	vld [tilespmem:s20+$0x450]  }
0x247: {  	[tilespmem:s8+$0x410] =	vst.add.f32.msk $0xffff, v5  }
0x248: {  	v5 =	vld [tilespmem:s7+$0x420]  }
0x249: {  	[tilespmem:s3+$0x60] =	vst.add.f32.msk $0xffff, v4  }
0x24a: {  	v4 =	vld [tilespmem:s18+$0x70]  }
0x24b: {  	[tilespmem:s21+$0x450] =	vst.add.f32.msk $0xffff, v3  }
0x24c: {  	v3 =	vld [tilespmem:s20+$0x460]  }
0x24d: {  	[tilespmem:s13+$0x70] =	vst.add.f32.msk $0xffff, v6;
	s13 =	sadd.s32 s26, s15  }
0x24e: {  	v6 =	vld [tilespmem:s13+$0x0];
	s18 =	sadd.s32 $0x1600, s29  }
0x24f: {  	s14 =	sadd.s32 s28, s18;
	[tilespmem:s3+$0x70] =	vst.add.f32.msk $0xffff, v4  }
0x250: {  	v4 =	vld [tilespmem:s14+$0x0]  }
0x251: {  	[tilespmem:s21+$0x460] =	vst.add.f32.msk $0xffff, v3  }
0x252: {  	v3 =	vld [tilespmem:s20+$0x470];
	_ =	sdelay $0x1  }
0x253: {  	[tilespmem:s8+$0x420] =	vst.add.f32.msk $0xffff, v5  }
0x254: {  	s22 =	sadd.s32 s26, s22;
	v5 =	vld [tilespmem:s7+$0x430];
	s29 =	smov.u32 s19  }
0x255: {  	[tilespmem:s22+$0x0] =	vst.add.f32.msk $0xffff, v6;
	s20 =	sadd.s32 $0xA00, s29  }
0x256: {  	s9 =	sadd.s32 s6, s20;
	[tilespmem:s21+$0x470] =	vst.add.f32.msk $0xffff, v3;
	s21 =	sadd.s32 $0xD600, s30  }
0x257: {  	v3 =	vld [tilespmem:s9+$0x0];
	s15 =	sadd.s32 s28, s21  }
0x258: {  	[tilespmem:s15+$0x0] =	vst.add.f32.msk $0xffff, v4  }
0x259: {  	s30 =	smov.u32 s10;
	v4 =	vld [tilespmem:s13+$0x10]  }
0x25a: {  	s28 =	smov.u32 s6;
	s10 =	sadd.s32 $0xCA00, s30;
	[tilespmem:s8+$0x430] =	vst.add.f32.msk $0xffff, v5  }
0x25b: {  	s6 =	sadd.s32 s28, s10;
	v6 =	vld [tilespmem:s14+$0x10]  }
0x25c: {  	[tilespmem:s6+$0x0] =	vst.add.f32.msk $0xffff, v3  }
0x25d: {  	v3 =	vld [tilespmem:s7+$0x440]  }
0x25e: {  	[tilespmem:s22+$0x10] =	vst.add.f32.msk $0xffff, v4  }
0x25f: {  	v5 =	vld [tilespmem:s9+$0x10]  }
0x260: {  	v4 =	vld [tilespmem:s13+$0x20]  }
0x261: {  	[tilespmem:s15+$0x10] =	vst.add.f32.msk $0xffff, v6  }
0x262: {  	[tilespmem:s8+$0x440] =	vst.add.f32.msk $0xffff, v3  }
0x263: {  	v3 =	vld [tilespmem:s7+$0x450]  }
0x264: {  	[tilespmem:s6+$0x10] =	vst.add.f32.msk $0xffff, v5  }
0x265: {  	[tilespmem:s22+$0x20] =	vst.add.f32.msk $0xffff, v4  }
0x266: {  	v4 =	vld [tilespmem:s13+$0x30]  }
0x267: {  	v5 =	vld [tilespmem:s9+$0x20]  }
0x268: {  	[tilespmem:s8+$0x450] =	vst.add.f32.msk $0xffff, v3  }
0x269: {  	v3 =	vld [tilespmem:s7+$0x460]  }
0x26a: {  	v6 =	vld [tilespmem:s14+$0x20]  }
0x26b: {  	[tilespmem:s22+$0x30] =	vst.add.f32.msk $0xffff, v4  }
0x26c: {  	v4 =	vld [tilespmem:s13+$0x40]  }
0x26d: {  	[tilespmem:s6+$0x20] =	vst.add.f32.msk $0xffff, v5  }
0x26e: {  	[tilespmem:s8+$0x460] =	vst.add.f32.msk $0xffff, v3  }
0x26f: {  	v3 =	vld [tilespmem:s7+$0x470]  }
0x270: {  	v5 =	vld [tilespmem:s9+$0x30]  }
0x271: {  	[tilespmem:s22+$0x40] =	vst.add.f32.msk $0xffff, v4  }
0x272: {  	v4 =	vld [tilespmem:s13+$0x50]  }
0x273: {  	[tilespmem:s15+$0x20] =	vst.add.f32.msk $0xffff, v6  }
0x274: {  	s3 =	sadd.s32 s17, s20;
	[tilespmem:s8+$0x470] =	vst.add.f32.msk $0xffff, v3  }
0x275: {  	v3 =	vld [tilespmem:s3+$0x0]  }
0x276: {  	[tilespmem:s6+$0x30] =	vst.add.f32.msk $0xffff, v5  }
0x277: {  	[tilespmem:s22+$0x50] =	vst.add.f32.msk $0xffff, v4  }
0x278: {  	v4 =	vld [tilespmem:s13+$0x60]  }
0x279: {  	s10 =	sadd.s32 s17, s10;
	v5 =	vld [tilespmem:s9+$0x40]  }
0x27a: {  	[tilespmem:s10+$0x0] =	vst.add.f32.msk $0xffff, v3  }
0x27b: {  	v3 =	vld [tilespmem:s3+$0x10]  }
0x27c: {  	v6 =	vld [tilespmem:s14+$0x30]  }
0x27d: {  	[tilespmem:s22+$0x60] =	vst.add.f32.msk $0xffff, v4  }
0x27e: {  	v4 =	vld [tilespmem:s13+$0x70]  }
0x27f: {  	[tilespmem:s6+$0x40] =	vst.add.f32.msk $0xffff, v5  }
0x280: {  	[tilespmem:s10+$0x10] =	vst.add.f32.msk $0xffff, v3  }
0x281: {  	v3 =	vld [tilespmem:s3+$0x20]  }
0x282: {  	v5 =	vld [tilespmem:s9+$0x50]  }
0x283: {  	s7 =	sadd.s32 s26, s18;
	[tilespmem:s22+$0x70] =	vst.add.f32.msk $0xffff, v4  }
0x284: {  	v4 =	vld [tilespmem:s7+$0x0]  }
0x285: {  	[tilespmem:s15+$0x30] =	vst.add.f32.msk $0xffff, v6  }
0x286: {  	[tilespmem:s10+$0x20] =	vst.add.f32.msk $0xffff, v3  }
0x287: {  	v3 =	vld [tilespmem:s3+$0x30]  }
0x288: {  	s8 =	sadd.s32 s26, s21;
	[tilespmem:s6+$0x50] =	vst.add.f32.msk $0xffff, v5  }
0x289: {  	[tilespmem:s8+$0x0] =	vst.add.f32.msk $0xffff, v4  }
0x28a: {  	v4 =	vld [tilespmem:s7+$0x10]  }
0x28b: {  	v5 =	vld [tilespmem:s9+$0x60]  }
0x28c: {  	[tilespmem:s10+$0x30] =	vst.add.f32.msk $0xffff, v3  }
0x28d: {  	v3 =	vld [tilespmem:s3+$0x40]  }
0x28e: {  	v6 =	vld [tilespmem:s14+$0x40]  }
0x28f: {  	[tilespmem:s8+$0x10] =	vst.add.f32.msk $0xffff, v4  }
0x290: {  	v4 =	vld [tilespmem:s7+$0x20]  }
0x291: {  	[tilespmem:s6+$0x60] =	vst.add.f32.msk $0xffff, v5  }
0x292: {  	[tilespmem:s10+$0x40] =	vst.add.f32.msk $0xffff, v3  }
0x293: {  	v3 =	vld [tilespmem:s3+$0x50]  }
0x294: {  	v5 =	vld [tilespmem:s9+$0x70]  }
0x295: {  	[tilespmem:s8+$0x20] =	vst.add.f32.msk $0xffff, v4  }
0x296: {  	v4 =	vld [tilespmem:s7+$0x30]  }
0x297: {  	[tilespmem:s15+$0x40] =	vst.add.f32.msk $0xffff, v6  }
0x298: {  	[tilespmem:s10+$0x50] =	vst.add.f32.msk $0xffff, v3  }
0x299: {  	v3 =	vld [tilespmem:s3+$0x60]  }
0x29a: {  	[tilespmem:s6+$0x70] =	vst.add.f32.msk $0xffff, v5  }
0x29b: {  	s20 =	sadd.s32 $0xE00, s29;
	[tilespmem:s8+$0x30] =	vst.add.f32.msk $0xffff, v4  }
0x29c: {  	s18 =	sadd.s32 s28, s20;
	v4 =	vld [tilespmem:s7+$0x40]  }
0x29d: {  	v5 =	vld [tilespmem:s18+$0x0]  }
0x29e: {  	[tilespmem:s10+$0x60] =	vst.add.f32.msk $0xffff, v3  }
0x29f: {  	v6 =	vld [tilespmem:s3+$0x70]  }
0x2a0: {  	v3 =	vld [tilespmem:s14+$0x50]  }
.Ltmp4:
0x2a1: {  	s3 =	sadd.s32 $0xCE00, s30;
	[tilespmem:s8+$0x40] =	vst.add.f32.msk $0xffff, v4;
	(pc) =	sbr.rel @p1 .LBB2_3-.Ltmp4, $4  }
0x2a2: {  	s22 =	sadd.s32 s28, s3;
	v4 =	vld [tilespmem:s7+$0x50]  }
0x2a3: {  	s26 =	smov.u32 s17;
	[tilespmem:s22+$0x0] =	vst.add.f32.msk $0xffff, v5  }
0x2a4: {  	s9 =	sadd.s32 s26, s20;
	[tilespmem:s10+$0x70] =	vst.add.f32.msk $0xffff, v6  }
0x2a5: {  	s6 =	smov.u32 s16;
	v5 =	vld [tilespmem:s9+$0x0]  }
0x2a6: {  	_ =	sdelay $0x2  }
0x2a7: {  	s3 =	sadd.s32 s26, s3;
	v6 =	vld [tilespmem:s18+$0x10]  }
0x2a8: {  	[tilespmem:s3+$0x0] =	vst.add.f32.msk $0xffff, v5  }
0x2a9: {  	v5 =	vld [tilespmem:s9+$0x10];
	_ =	sdelay $0x2  }
0x2aa: {  	[tilespmem:s22+$0x10] =	vst.add.f32.msk $0xffff, v6  }
0x2ab: {  	v6 =	vld [tilespmem:s18+$0x20]  }
0x2ac: {  	[tilespmem:s3+$0x10] =	vst.add.f32.msk $0xffff, v5  }
0x2ad: {  	v5 =	vld [tilespmem:s9+$0x20];
	_ =	sdelay $0x2  }
0x2ae: {  	[tilespmem:s22+$0x20] =	vst.add.f32.msk $0xffff, v6  }
0x2af: {  	v6 =	vld [tilespmem:s18+$0x30]  }
0x2b0: {  	[tilespmem:s3+$0x20] =	vst.add.f32.msk $0xffff, v5  }
0x2b1: {  	v5 =	vld [tilespmem:s9+$0x30];
	_ =	sdelay $0x2  }
0x2b2: {  	[tilespmem:s22+$0x30] =	vst.add.f32.msk $0xffff, v6  }
0x2b3: {  	v6 =	vld [tilespmem:s18+$0x40]  }
0x2b4: {  	[tilespmem:s3+$0x30] =	vst.add.f32.msk $0xffff, v5  }
0x2b5: {  	v5 =	vld [tilespmem:s9+$0x40];
	_ =	sdelay $0x2  }
0x2b6: {  	[tilespmem:s22+$0x40] =	vst.add.f32.msk $0xffff, v6  }
0x2b7: {  	v6 =	vld [tilespmem:s18+$0x50]  }
0x2b8: {  	[tilespmem:s3+$0x40] =	vst.add.f32.msk $0xffff, v5  }
0x2b9: {  	v5 =	vld [tilespmem:s9+$0x50];
	_ =	sdelay $0x2  }
0x2ba: {  	[tilespmem:s22+$0x50] =	vst.add.f32.msk $0xffff, v6  }
0x2bb: {  	v6 =	vld [tilespmem:s18+$0x60]  }
0x2bc: {  	[tilespmem:s3+$0x50] =	vst.add.f32.msk $0xffff, v5  }
0x2bd: {  	v5 =	vld [tilespmem:s9+$0x60];
	_ =	sdelay $0x2  }
0x2be: {  	[tilespmem:s22+$0x60] =	vst.add.f32.msk $0xffff, v6  }
0x2bf: {  	v6 =	vld [tilespmem:s18+$0x70]  }
0x2c0: {  	[tilespmem:s3+$0x60] =	vst.add.f32.msk $0xffff, v5  }
0x2c1: {  	v5 =	vld [tilespmem:s9+$0x70];
	_ =	sdelay $0x1  }
0x2c2: {  	s6 =	sadd.s32 $0x1200, s29  }
0x2c3: {  	s19 =	sadd.s32 s26, s6;
	s6 =	sadd.s32 s28, s6;
	[tilespmem:s22+$0x70] =	vst.add.f32.msk $0xffff, v6  }
0x2c4: {  	v6 =	vld [tilespmem:s6+$0x0]  }
0x2c5: {  	[tilespmem:s3+$0x70] =	vst.add.f32.msk $0xffff, v5  }
0x2c6: {  	v5 =	vld [tilespmem:s19+$0x0]  }
0x2c7: {  	s20 =	sadd.s32 $0xD200, s30  }
0x2c8: {  	s9 =	sadd.s32 s28, s20  }
0x2c9: {  	[tilespmem:s9+$0x0] =	vst.add.f32.msk $0xffff, v6  }
0x2ca: {  	s10 =	sadd.s32 s26, s20;
	v6 =	vld [tilespmem:s6+$0x10]  }
0x2cb: {  	[tilespmem:s10+$0x0] =	vst.add.f32.msk $0xffff, v5  }
0x2cc: {  	v5 =	vld [tilespmem:s19+$0x10];
	_ =	sdelay $0x2  }
0x2cd: {  	[tilespmem:s9+$0x10] =	vst.add.f32.msk $0xffff, v6  }
0x2ce: {  	v6 =	vld [tilespmem:s6+$0x20]  }
0x2cf: {  	[tilespmem:s10+$0x10] =	vst.add.f32.msk $0xffff, v5  }
0x2d0: {  	v5 =	vld [tilespmem:s19+$0x20];
	_ =	sdelay $0x2  }
0x2d1: {  	[tilespmem:s9+$0x20] =	vst.add.f32.msk $0xffff, v6  }
0x2d2: {  	v6 =	vld [tilespmem:s6+$0x30]  }
0x2d3: {  	[tilespmem:s10+$0x20] =	vst.add.f32.msk $0xffff, v5  }
0x2d4: {  	v5 =	vld [tilespmem:s19+$0x30];
	_ =	sdelay $0x2  }
0x2d5: {  	[tilespmem:s9+$0x30] =	vst.add.f32.msk $0xffff, v6  }
0x2d6: {  	v6 =	vld [tilespmem:s6+$0x40]  }
0x2d7: {  	[tilespmem:s10+$0x30] =	vst.add.f32.msk $0xffff, v5  }
0x2d8: {  	v5 =	vld [tilespmem:s19+$0x40];
	_ =	sdelay $0x2  }
0x2d9: {  	[tilespmem:s9+$0x40] =	vst.add.f32.msk $0xffff, v6  }
0x2da: {  	v6 =	vld [tilespmem:s6+$0x50]  }
0x2db: {  	[tilespmem:s10+$0x40] =	vst.add.f32.msk $0xffff, v5  }
0x2dc: {  	v5 =	vld [tilespmem:s19+$0x50];
	_ =	sdelay $0x2  }
0x2dd: {  	[tilespmem:s9+$0x50] =	vst.add.f32.msk $0xffff, v6  }
0x2de: {  	v6 =	vld [tilespmem:s6+$0x60]  }
0x2df: {  	[tilespmem:s10+$0x50] =	vst.add.f32.msk $0xffff, v5  }
0x2e0: {  	v5 =	vld [tilespmem:s19+$0x60];
	_ =	sdelay $0x2  }
0x2e1: {  	[tilespmem:s9+$0x60] =	vst.add.f32.msk $0xffff, v6  }
0x2e2: {  	v6 =	vld [tilespmem:s6+$0x70]  }
0x2e3: {  	[tilespmem:s10+$0x60] =	vst.add.f32.msk $0xffff, v5  }
0x2e4: {  	v5 =	vld [tilespmem:s19+$0x70];
	_ =	sdelay $0x1  }
0x2e5: {  	s21 =	sadd.s32 $0x1600, s29  }
0x2e6: {  	s3 =	sadd.s32 s28, s21;
	[tilespmem:s9+$0x70] =	vst.add.f32.msk $0xffff, v6  }
0x2e7: {  	v6 =	vld [tilespmem:s3+$0x0]  }
0x2e8: {  	s22 =	sadd.s32 s26, s21;
	[tilespmem:s10+$0x70] =	vst.add.f32.msk $0xffff, v5  }
0x2e9: {  	v5 =	vld [tilespmem:s22+$0x0]  }
0x2ea: {  	s25 =	sadd.s32 $0xD600, s30  }
0x2eb: {  	s9 =	sadd.s32 s28, s25  }
0x2ec: {  	[tilespmem:s9+$0x0] =	vst.add.f32.msk $0xffff, v6  }
0x2ed: {  	s26 =	sadd.s32 s26, s25;
	v6 =	vld [tilespmem:s3+$0x10]  }
0x2ee: {  	[tilespmem:s26+$0x0] =	vst.add.f32.msk $0xffff, v5  }
0x2ef: {  	v5 =	vld [tilespmem:s22+$0x10];
	_ =	sdelay $0x2  }
0x2f0: {  	[tilespmem:s9+$0x10] =	vst.add.f32.msk $0xffff, v6  }
0x2f1: {  	v6 =	vld [tilespmem:s3+$0x20]  }
0x2f2: {  	[tilespmem:s26+$0x10] =	vst.add.f32.msk $0xffff, v5  }
0x2f3: {  	v5 =	vld [tilespmem:s22+$0x20];
	_ =	sdelay $0x2  }
0x2f4: {  	[tilespmem:s9+$0x20] =	vst.add.f32.msk $0xffff, v6  }
0x2f5: {  	v6 =	vld [tilespmem:s3+$0x30]  }
0x2f6: {  	[tilespmem:s26+$0x20] =	vst.add.f32.msk $0xffff, v5  }
0x2f7: {  	v5 =	vld [tilespmem:s22+$0x30]  }
0x2f8: {  	[tilespmem:s15+$0x50] =	vst.add.f32.msk $0xffff, v3  }
0x2f9: {  	[tilespmem:s8+$0x50] =	vst.add.f32.msk $0xffff, v4  }
0x2fa: {  	[tilespmem:s9+$0x30] =	vst.add.f32.msk $0xffff, v6  }
0x2fb: {  	v6 =	vld [tilespmem:s3+$0x40]  }
0x2fc: {  	[tilespmem:s26+$0x30] =	vst.add.f32.msk $0xffff, v5  }
0x2fd: {  	v5 =	vld [tilespmem:s22+$0x40]  }
0x2fe: {  	v63 =	vld [tilespmem:s14+$0x60]  }
0x2ff: {  	v4 =	vld [tilespmem:s7+$0x60]  }
0x300: {  	[tilespmem:s9+$0x40] =	vst.add.f32.msk $0xffff, v6  }
0x301: {  	v61 =	vld [tilespmem:s3+$0x50]  }
0x302: {  	[tilespmem:s26+$0x40] =	vst.add.f32.msk $0xffff, v5  }
0x303: {  	v3 =	vld [tilespmem:s22+$0x50]  }
0x304: {  	[tilespmem:s15+$0x60] =	vst.add.f32.msk $0xffff, v63  }
0x305: {  	[tilespmem:s8+$0x60] =	vst.add.f32.msk $0xffff, v4  }
0x306: {  	[tilespmem:s9+$0x50] =	vst.add.f32.msk $0xffff, v61  }
0x307: {  	v4 =	vld [tilespmem:s3+$0x60]  }
0x308: {  	[tilespmem:s26+$0x50] =	vst.add.f32.msk $0xffff, v3  }
0x309: {  	v3 =	vld [tilespmem:s22+$0x60]  }
0x30a: {  	v62 =	vld [tilespmem:s7+$0x70]  }
0x30b: {  	v6 =	vld [tilespmem:s14+$0x70]  }
0x30c: {  	[tilespmem:s9+$0x60] =	vst.add.f32.msk $0xffff, v4  }
0x30d: {  	s29 =	sshll.u32 s23, $0xA;
	v4 =	vld [tilespmem:s3+$0x70]  }
0x30e: {  	s6 =	sand.u32 $0x1800, s29;
	[tilespmem:s26+$0x60] =	vst.add.f32.msk $0xffff, v3  }
0x30f: {  	s0 =	sor.u32 s0, s6;
	v3 =	vld [tilespmem:s22+$0x70]  }
0x310: {  	s0 =	sor.u32 s4, s0  }
0x311: {  	[tilespmem:s8+$0x70] =	vst.add.f32.msk $0xffff, v62;
	s0 =	sshrl.u32 s0, $0x3  }
0x312: {  	s0 =	smul.u32 $0x300, s0;
	[tilespmem:s15+$0x70] =	vst.add.f32.msk $0xffff, v6  }
0x313: {  	s31 =	rddreg [dreg:$0x3];
	[tilespmem:s9+$0x70] =	vst.add.f32.msk $0xffff, v4  }
0x314: {  	s30 =	sadd.s32 $0x4, s24;
	s0 =	sadd.s32 s31, s0;
	[tilespmem:s26+$0x70] =	vst.add.f32.msk $0xffff, v3  }
0x315: {  	[hbm4b:s0+s5] =	stream.linear.scatter [tilespmem:s2], [sflag:s30], $0x6000, $0x38;
	[tilespmem:$0x1E200] =	vst v63  }
0x316: {  	s0 =	sadd.s32 $0xFFFFFFFF, s23  }
0x317: {  	p1 =	sgt.u32 s0, $0x4  }
.Ltmp5:
0x318: {  	_ = 	snop;
	(pc) =	sbr.rel @p1 .LBB2_6-.Ltmp5, $1  }
0x319: {  	_ =	sdelay $0x3  }
0x31a: {  	s2 =	sadd.s32 $0xFFFFFFFC, s23;
	p1 =	slt.u32 s23, $0x4  }
0x31b: {  	s2 =	smov.u32 @p1 s0  }
0x31c: {  	s14 =	sadd.s32 $0x2, s23;
	s2 =	sadd.s32 $0x4, s2  }
0x31d: {  	s3 =	sshll.u32 s14, $0x5;
	s6 =	sshll.u32 s14, $0x6;
	_ =	swait.ge [sflag:s2], $0x6000  }
0x31e: {  	s3 =	sand.u32 $0x20, s3;
	s6 =	sand.u32 $0x3FFFFF80, s6;
	[sflag:s2] =	ssyncset.done $0x0  }
0x31f: {  	s15 =	sor.u32 s3, s6;
	[sflag:s2] =	ssyncadd.s32 $0xFFFFA000  }
0x320: {  	v3 =	vld [tilespmem:s15+$0x0];
	_ =	sdelay $0x3  }
0x321: {  	s16 =	smul.u32 $0xAB, s14  }
0x322: {  	v4 =	vshrl.u32 v3, $0x3  }
0x323: {  	s3 =	sshrl.u32 s16, $0x9;
	v4 =	vmul.u32 $0x30, v4  }
0x324: {  	s3 =	sand.u32 $0x7F, s3;
	v3 =	vand.u32 $0x7, v3  }
0x325: {  	s3 =	smul.u32 $0x3, s3;
	v3 =	vor.u32 v3, v4  }
0x326: {  	v4 =	vperm.xlane v3, v0  }
0x327: {  	s0 =	ssub.s32 s14, s3  }
0x328: {  	s0 =	sand.u32 $0xFF, s0;
	v4 =	vadd.s32 v1, v4  }
0x329: {  	s17 =	smul.u32 $0x18000, s0;
	_ =	sdelay $0x1  }
0x32a: {  	s3 =	sshrl.u32 s17, $0x2  }
0x32b: {  	s0 =	sadd.s32 $0x1, s0;
	s18 =	sadd.s32 $0xC200, s3;
	v3 =	vperm.xlane v3, v2  }
0x32c: {  	[tilespmem:s18], [sflag:s0] =	stream.indirect_vreg.gather [hbm4b:s1+s5], $0x80, v4, vm0, $0xb8;
	[tilespmem:$0x1E200] =	vst v63  }
0x32d: {  	s19 =	sadd.s32 $0xCA00, s3;
	v3 =	vadd.s32 v1, v3  }
0x32e: {  	[tilespmem:s19], [sflag:s0] =	stream.indirect_vreg.gather [hbm4b:s11+s5], $0x80, v4, vm0, $0xb8;
	[tilespmem:$0x1E200] =	vst v63  }
0x32f: {  	s20 =	sadd.s32 $0xD200, s3  }
0x330: {  	[tilespmem:s20], [sflag:s0] =	stream.indirect_vreg.gather [hbm4b:s12+s5], $0x80, v4, vm0, $0xb8;
	[tilespmem:$0x1E200] =	vst v63  }
0x331: {  	s21 =	sadd.s32 $0xDA00, s3  }
0x332: {  	[tilespmem:s21], [sflag:s0] =	stream.indirect_vreg.gather [hbm4b:s1+s5], $0x80, v3, vm0, $0xb8;
	[tilespmem:$0x1E200] =	vst v63  }
0x333: {  	s22 =	sadd.s32 $0xE200, s3  }
0x334: {  	[tilespmem:s22], [sflag:s0] =	stream.indirect_vreg.gather [hbm4b:s11+s5], $0x80, v3, vm0, $0xb8;
	[tilespmem:$0x1E200] =	vst v63  }
0x335: {  	s24 =	sadd.s32 $0xEA00, s3  }
0x336: {  	[tilespmem:s24], [sflag:s0] =	stream.indirect_vreg.gather [hbm4b:s12+s5], $0x80, v3, vm0, $0xb8;
	[tilespmem:$0x1E200] =	vst v63  }
0x337: {  	v3 =	vld [tilespmem:s15+$0x10];
	_ =	sdelay $0x4  }
0x338: {  	v63 =	vshrl.u32 v3, $0x3  }
0x339: {  	v4 =	vmul.u32 $0x30, v63  }
0x33a: {  	v3 =	vand.u32 $0x7, v3  }
0x33b: {  	v3 =	vor.u32 v3, v4  }
0x33c: {  	v4 =	vperm.xlane v3, v0;
	_ =	sdelay $0x1  }
0x33d: {  	v4 =	vadd.s32 v1, v4;
	_ =	sdelay $0x3  }
0x33e: {  	s25 =	sadd.s32 $0xF200, s3;
	v3 =	vperm.xlane v3, v2  }
0x33f: {  	[tilespmem:s25], [sflag:s0] =	stream.indirect_vreg.gather [hbm4b:s1+s5], $0x80, v4, vm0, $0xb8;
	[tilespmem:$0x1E200] =	vst v63  }
0x340: {  	s26 =	sadd.s32 $0xFA00, s3;
	v3 =	vadd.s32 v1, v3  }
0x341: {  	[tilespmem:s26], [sflag:s0] =	stream.indirect_vreg.gather [hbm4b:s11+s5], $0x80, v4, vm0, $0xb8;
	[tilespmem:$0x1E200] =	vst v63  }
0x342: {  	s28 =	sadd.s32 $0x10200, s3  }
0x343: {  	[tilespmem:s28], [sflag:s0] =	stream.indirect_vreg.gather [hbm4b:s12+s5], $0x80, v4, vm0, $0xb8;
	[tilespmem:$0x1E200] =	vst v63  }
0x344: {  	s29 =	sadd.s32 $0x10A00, s3  }
0x345: {  	[tilespmem:s29], [sflag:s0] =	stream.indirect_vreg.gather [hbm4b:s1+s5], $0x80, v3, vm0, $0xb8;
	[tilespmem:$0x1E200] =	vst v63  }
.Ltmp6:
0x346: {  	_ = 	snop;
	(pc) =	sbr.rel .LBB2_6-.Ltmp6, $4  }
0x347: {  	s30 =	sadd.s32 $0x11200, s3  }
0x348: {  	[tilespmem:s30], [sflag:s0] =	stream.indirect_vreg.gather [hbm4b:s11+s5], $0x80, v3, vm0, $0xb8;
	[tilespmem:$0x1E200] =	vst v63  }
0x349: {  	s31 =	sadd.s32 $0x11A00, s3  }
0x34a: {  	[tilespmem:s31], [sflag:s0] =	stream.indirect_vreg.gather [hbm4b:s12+s5], $0x80, v3, vm0, $0xb8;
	[tilespmem:$0x1E200] =	vst v63  }
.LBB2_8:
0x34b: {  	_ =	sfence.sel $0x180000  }
0x34c: {  	[bflag:$0x0] =	sbarrier.arrive $0xFFFF  }
0x34d: {  	_ =	strace $0x90000047  }
0x34e: {  	s0 =	stileid.u32;
	[bflag:$0x2] =	sbarrier.arrive $0xFFFF  }
0x34f: {  	p0 =	sne.s32 s0, $0x0;
	s0 =	rddreg [dreg:$0x4]  }
0x350: {  	s0 =	sadd.s32 @!p0 $0x100000, s0  }
0x351: {  	[sflag:s0] =	ssyncadd.tile.s32 @!p0 $0x1;
	_ =	shalt  }
.Lfunc_end2:
_tile_overlayer_lowered:
.L_overlay_start_2:
0x352: {  	(tag) =	ssettag $0x2  }
0x353: {  	s0 =	rddreg [dreg:$0x0];
	s2 =	stileid.u32  }
0x354: {  	s1 =	rddreg [dreg:$0x1];
	p0 =	sne.s32 s2, $0x0  }
0x355: {  	s3 =	rddreg [dreg:$0x2];
	[bflag:$0x3] =	sbarrier.arrive $0xFFFF;
	s2 =	simm.s32 @!p0 $0x1C09  }
0x356: {  	[timem:s3], [sflag:s2] =	dma.local @!p0 [hbm:s0], s1  }
0x357: {  	s0 =	simm.s32 @!p0 $0x9  }
0x358: {  	_ =	swait.ge @!p0 [sflag:s0], s1  }
0x359: {  	s1 =	ssub.s32 @!p0 $0x0, s1;
	[sflag:s0] =	ssyncset.done @!p0 $0x0  }
0x35a: {  	[sflag:s0] =	ssyncadd.s32 @!p0 s1  }
0x35b: {  	[bflag:$0x3] =	sbarrier.arrive $0xFFFF  }
0x35c: {  	_ =	shalt  }

</sc_bundles>
